<compile_context>
chip_gen: v7x
topology: tpu7x:2x2x1
jax: 0.10.2.dev20260603
libtpu: 0.0.44.dev20260713+nightly
codegen_flags: <defaults>
</compile_context>

<pallas_src>
import functools

import jax
import jax.numpy as jnp
from jax import lax
from jax.experimental import pallas as pl
from jax.experimental.pallas import tpu as pltpu
from jax.experimental.pallas import tpu_sc as plsc

VOCAB2 = 1000002
EMBED = 64
WIDE = 128
B_FLAT = 4096 * 200
NC, NS = 2, 16
NW = NC * NS
PER_W = B_FLAT // NW
CHUNK = 128
NCHUNK = PER_W // CHUNK
NBUF = 10
NGROUP = NCHUNK // NBUF


def _make_gather():
    mesh = plsc.VectorSubcoreMesh(core_axis_name="c", subcore_axis_name="s")

    @functools.partial(
        pl.kernel,
        out_type=jax.ShapeDtypeStruct((B_FLAT, WIDE), jnp.float32),
        mesh=mesh,
        scratch_types=[
            pltpu.VMEM((NCHUNK, CHUNK), jnp.int32),
            pltpu.VMEM((NBUF, CHUNK, EMBED), jnp.float32),
            pltpu.SemaphoreType.DMA((NBUF,)),
            pltpu.SemaphoreType.DMA((NBUF,)),
        ],
        compiler_params=pltpu.CompilerParams(use_tc_tiling_on_sc=False),
    )
    def gather_kernel(idx_hbm, table_hbm, out_hbm, idx_v, rows_v, gsem, ssem):
        wid = lax.axis_index("s") * NC + lax.axis_index("c")
        out_base = wid * PER_W
        pltpu.sync_copy(idx_hbm.at[wid], idx_v)

        for b in range(NBUF):
            pltpu.async_copy(table_hbm.at[idx_v.at[b]], rows_v.at[b],
                             gsem.at[b])

        def step(j, b):
            pltpu.make_async_copy(table_hbm.at[idx_v.at[j]], rows_v.at[b],
                                  gsem.at[b]).wait()
            dst = out_hbm.at[pl.ds(out_base + j * CHUNK, CHUNK),
                             pl.ds(0, EMBED)]
            pltpu.async_copy(rows_v.at[b], dst, ssem.at[b])
            pltpu.make_async_copy(rows_v.at[b], dst, ssem.at[b]).wait()

            @pl.when(j + NBUF < NCHUNK)
            def _():
                pltpu.async_copy(table_hbm.at[idx_v.at[j + NBUF]],
                                 rows_v.at[b], gsem.at[b])

        def group(g, carry):
            for b in range(NBUF):
                step(g * NBUF + b, b)
            return carry

        lax.fori_loop(0, NGROUP, group, 0)

    return gather_kernel


_gather = _make_gather()


@jax.jit
def kernel(word_batch, table):
    flat = word_batch.reshape(-1).astype(jnp.int32)
    idx3 = flat.reshape(NW, NCHUNK, CHUNK)
    out = _gather(idx3, table)
    return out[:, :EMBED].reshape(word_batch.shape[0], word_batch.shape[1], EMBED)

# --- scband reference (transcript-rebuilt; emitter-appended) ---
"""Pipeline reference for scband-embedding-11295763988833 (READ-ONLY COPY).

The authoritative reference and input builder live on the scoring server;
editing this copy changes nothing except your own understanding.
"""

import jax, jax.numpy as jnp
import numpy as np

VOCAB = 1000000
EMBED_DIM = 64
BATCH = 4096
SEQ = 200


def setup_inputs(seed: int = 0) -> dict:
    key = jax.random.key(seed)
    k_idx, k_tab = jax.random.split(key)
    # glove table loaded from .npy, then two zero rows vstacked (per load_embedding)
    base = jax.random.normal(k_tab, (VOCAB, EMBED_DIM), dtype=jnp.float32)
    table = jnp.vstack([base, jnp.zeros((2, EMBED_DIM), dtype=jnp.float32)])  # [VOCAB+2, EMBED_DIM]
    word_batch = jax.random.randint(k_idx, (BATCH, SEQ), 0, VOCAB + 2, dtype=jnp.int64 if jax.config.jax_enable_x64 else jnp.int32)
    return {"word_batch": word_batch, "table": table}


def reference(word_batch, table):
    # embedding_type == 'glove': plain nn.Embedding lookup (frozen pretrained table)
    emb = jnp.take(table, word_batch, axis=0)  # [BATCH, SEQ, EMBED_DIM]
    return emb

if __name__ == "__main__":
    import jax
    _d = setup_inputs()
    print(jax.jit(kernel)(*tuple(_d.values())))

</pallas_src>

<mosaic_0001>
#map = affine_map<(d0, d1) -> (0, 0, 0)>
#map1 = affine_map<(d0, d1) -> (0, 0)>
module attributes {stable_mosaic.version = 14 : i64} {
  func.func @gather_kernel(%arg0: i32, %arg1: i32, %arg2: memref<32x200x128xi32, #tpu.memory_space<hbm>>, %arg3: memref<1000002x64xf32, #tpu.memory_space<hbm>>, %arg4: memref<819200x128xf32, #tpu.memory_space<hbm>>, %arg5: memref<200x128xi32, #tpu.memory_space<vmem>>, %arg6: memref<10x128x64xf32, #tpu.memory_space<vmem>>, %arg7: memref<10x!tpu.dma_semaphore, #tpu.memory_space<semaphore_mem>>, %arg8: memref<10x!tpu.dma_semaphore, #tpu.memory_space<semaphore_mem>>) attributes {dimension_semantics = [#tpu.dimension_semantics<core_parallel>, #tpu.dimension_semantics<subcore_parallel>], iteration_bounds = array<i64: 2, 16>, scalar_prefetch = 0 : i64, scratch_operands = 4 : i64, tpu.core_type = #tpu.core_type<sc_vector_subcore>, window_params = [{transform_indices = #map}, {transform_indices = #map1}, {transform_indices = #map1}]} {
    %mul3A = arith.constant 2 : i32
    %mul3A_0 = arith.muli %arg1, %mul3A : i32
    %add3A = arith.addi %mul3A_0, %arg0 : i32
    %mul3A_1 = arith.constant 25600 : i32
    %mul3A_2 = arith.muli %add3A, %mul3A_1 : i32
    "tpu.region"() ({
      %run_scoped3A = tpu.sem_alloc : memref<!tpu.dma_semaphore, #tpu.memory_space<semaphore_mem>>
      %dma_start3A_157 = arith.constant 0 : i32
      %dma_start3A_158 = arith.constant 0 : i32
      %dma_start3A_159 = tpu.memref_slice %arg2[%add3A, %dma_start3A_157, %dma_start3A_158] : memref<32x200x128xi32, #tpu.memory_space<hbm>> -> memref<1x200x128xi32, #tpu.memory_space<hbm>>
      %dma_start3A_160 = tpu.memref_squeeze %dma_start3A_159 : memref<1x200x128xi32, #tpu.memory_space<hbm>> -> memref<200x128xi32, #tpu.memory_space<hbm>>
      %dma_start3A_161 = arith.constant 0 : i32
      %dma_start3A_162 = arith.constant 0 : i32
      %dma_start3A_163 = tpu.memref_slice %arg2[%add3A, %dma_start3A_161, %dma_start3A_162] : memref<32x200x128xi32, #tpu.memory_space<hbm>> -> memref<1x200x128xi32, #tpu.memory_space<hbm>>
      %dma_start3A_164 = tpu.memref_squeeze %dma_start3A_163 : memref<1x200x128xi32, #tpu.memory_space<hbm>> -> memref<200x128xi32, #tpu.memory_space<hbm>>
      tpu.enqueue_dma source(%dma_start3A_164 : memref<200x128xi32, #tpu.memory_space<hbm>>) target(%arg5 : memref<200x128xi32, #tpu.memory_space<vmem>>) target_semaphore(%run_scoped3A : memref<!tpu.dma_semaphore, #tpu.memory_space<semaphore_mem>>)
      %dma_wait3A = arith.constant 0 : i32
      %dma_wait3A_165 = arith.constant 0 : i32
      %dma_wait3A_166 = tpu.memref_slice %arg2[%add3A, %dma_wait3A, %dma_wait3A_165] : memref<32x200x128xi32, #tpu.memory_space<hbm>> -> memref<1x200x128xi32, #tpu.memory_space<hbm>>
      %dma_wait3A_167 = tpu.memref_squeeze %dma_wait3A_166 : memref<1x200x128xi32, #tpu.memory_space<hbm>> -> memref<200x128xi32, #tpu.memory_space<hbm>>
      %dma_wait3A_168 = arith.constant 0 : i32
      %dma_wait3A_169 = arith.constant 0 : i32
      %dma_wait3A_170 = tpu.memref_slice %arg2[%add3A, %dma_wait3A_168, %dma_wait3A_169] : memref<32x200x128xi32, #tpu.memory_space<hbm>> -> memref<1x200x128xi32, #tpu.memory_space<hbm>>
      %dma_wait3A_171 = tpu.memref_squeeze %dma_wait3A_170 : memref<1x200x128xi32, #tpu.memory_space<hbm>> -> memref<200x128xi32, #tpu.memory_space<hbm>>
      tpu.wait_dma2 semaphore(%run_scoped3A : memref<!tpu.dma_semaphore, #tpu.memory_space<semaphore_mem>>) src(%dma_wait3A_171 : memref<200x128xi32, #tpu.memory_space<hbm>>) dst(%arg5 : memref<200x128xi32, #tpu.memory_space<vmem>>)
      tpu.yield
    }) : () -> ()
    %dma_start3A = arith.constant 0 : i32
    %dma_start3A_3 = arith.constant 0 : i32
    %dma_start3A_4 = arith.constant 0 : i32
    %dma_start3A_5 = arith.constant 0 : i32
    %dma_start3A_6 = arith.constant 0 : i32
    %dma_start3A_7 = tpu.memref_slice %arg6[%dma_start3A_3, %dma_start3A_5, %dma_start3A_6] : memref<10x128x64xf32, #tpu.memory_space<vmem>> -> memref<1x128x64xf32, #tpu.memory_space<vmem>>
    %dma_start3A_8 = tpu.memref_squeeze %dma_start3A_7 : memref<1x128x64xf32, #tpu.memory_space<vmem>> -> memref<128x64xf32, #tpu.memory_space<vmem>>
    %dma_start3A_9 = arith.constant 0 : i32
    %dma_start3A_10 = tpu.memref_slice %arg5[%dma_start3A, %dma_start3A_9] : memref<200x128xi32, #tpu.memory_space<vmem>> -> memref<1x128xi32, #tpu.memory_space<vmem>>
    %dma_start3A_11 = tpu.memref_squeeze %dma_start3A_10 : memref<1x128xi32, #tpu.memory_space<vmem>> -> memref<128xi32, #tpu.memory_space<vmem>>
    %dma_start3A_12 = arith.constant 0 : i32
    %dma_start3A_13 = arith.constant 0 : i32
    %dma_start3A_14 = tpu.memref_slice %arg3[%dma_start3A_12, %dma_start3A_13] : memref<1000002x64xf32, #tpu.memory_space<hbm>> -> memref<1000002x64xf32, #tpu.memory_space<hbm>>
    %dma_start3A_15 = tpu.memref_slice %arg7[%dma_start3A_4] : memref<10x!tpu.dma_semaphore, #tpu.memory_space<semaphore_mem>> -> memref<1x!tpu.dma_semaphore, #tpu.memory_space<semaphore_mem>>
    %dma_start3A_16 = tpu.memref_squeeze %dma_start3A_15 : memref<1x!tpu.dma_semaphore, #tpu.memory_space<semaphore_mem>> -> memref<!tpu.dma_semaphore, #tpu.memory_space<semaphore_mem>>
    tpu.enqueue_indirect_dma source(%dma_start3A_14 : memref<1000002x64xf32, #tpu.memory_space<hbm>>) target(%dma_start3A_8 : memref<128x64xf32, #tpu.memory_space<vmem>>) offsets(%dma_start3A_11 : memref<128xi32, #tpu.memory_space<vmem>>) semaphore(%dma_start3A_16 : memref<!tpu.dma_semaphore, #tpu.memory_space<semaphore_mem>>)
    %dma_start3A_17 = arith.constant 1 : i32
    %dma_start3A_18 = arith.constant 1 : i32
    %dma_start3A_19 = arith.constant 1 : i32
    %dma_start3A_20 = arith.constant 0 : i32
    %dma_start3A_21 = arith.constant 0 : i32
    %dma_start3A_22 = tpu.memref_slice %arg6[%dma_start3A_18, %dma_start3A_20, %dma_start3A_21] : memref<10x128x64xf32, #tpu.memory_space<vmem>> -> memref<1x128x64xf32, #tpu.memory_space<vmem>>
    %dma_start3A_23 = tpu.memref_squeeze %dma_start3A_22 : memref<1x128x64xf32, #tpu.memory_space<vmem>> -> memref<128x64xf32, #tpu.memory_space<vmem>>
    %dma_start3A_24 = arith.constant 0 : i32
    %dma_start3A_25 = tpu.memref_slice %arg5[%dma_start3A_17, %dma_start3A_24] : memref<200x128xi32, #tpu.memory_space<vmem>> -> memref<1x128xi32, #tpu.memory_space<vmem>>
    %dma_start3A_26 = tpu.memref_squeeze %dma_start3A_25 : memref<1x128xi32, #tpu.memory_space<vmem>> -> memref<128xi32, #tpu.memory_space<vmem>>
    %dma_start3A_27 = arith.constant 0 : i32
    %dma_start3A_28 = arith.constant 0 : i32
    %dma_start3A_29 = tpu.memref_slice %arg3[%dma_start3A_27, %dma_start3A_28] : memref<1000002x64xf32, #tpu.memory_space<hbm>> -> memref<1000002x64xf32, #tpu.memory_space<hbm>>
    %dma_start3A_30 = tpu.memref_slice %arg7[%dma_start3A_19] : memref<10x!tpu.dma_semaphore, #tpu.memory_space<semaphore_mem>> -> memref<1x!tpu.dma_semaphore, #tpu.memory_space<semaphore_mem>>
    %dma_start3A_31 = tpu.memref_squeeze %dma_start3A_30 : memref<1x!tpu.dma_semaphore, #tpu.memory_space<semaphore_mem>> -> memref<!tpu.dma_semaphore, #tpu.memory_space<semaphore_mem>>
    tpu.enqueue_indirect_dma source(%dma_start3A_29 : memref<1000002x64xf32, #tpu.memory_space<hbm>>) target(%dma_start3A_23 : memref<128x64xf32, #tpu.memory_space<vmem>>) offsets(%dma_start3A_26 : memref<128xi32, #tpu.memory_space<vmem>>) semaphore(%dma_start3A_31 : memref<!tpu.dma_semaphore, #tpu.memory_space<semaphore_mem>>)
    %dma_start3A_32 = arith.constant 2 : i32
    %dma_start3A_33 = arith.constant 2 : i32
    %dma_start3A_34 = arith.constant 2 : i32
    %dma_start3A_35 = arith.constant 0 : i32
    %dma_start3A_36 = arith.constant 0 : i32
    %dma_start3A_37 = tpu.memref_slice %arg6[%dma_start3A_33, %dma_start3A_35, %dma_start3A_36] : memref<10x128x64xf32, #tpu.memory_space<vmem>> -> memref<1x128x64xf32, #tpu.memory_space<vmem>>
    %dma_start3A_38 = tpu.memref_squeeze %dma_start3A_37 : memref<1x128x64xf32, #tpu.memory_space<vmem>> -> memref<128x64xf32, #tpu.memory_space<vmem>>
    %dma_start3A_39 = arith.constant 0 : i32
    %dma_start3A_40 = tpu.memref_slice %arg5[%dma_start3A_32, %dma_start3A_39] : memref<200x128xi32, #tpu.memory_space<vmem>> -> memref<1x128xi32, #tpu.memory_space<vmem>>
    %dma_start3A_41 = tpu.memref_squeeze %dma_start3A_40 : memref<1x128xi32, #tpu.memory_space<vmem>> -> memref<128xi32, #tpu.memory_space<vmem>>
    %dma_start3A_42 = arith.constant 0 : i32
    %dma_start3A_43 = arith.constant 0 : i32
    %dma_start3A_44 = tpu.memref_slice %arg3[%dma_start3A_42, %dma_start3A_43] : memref<1000002x64xf32, #tpu.memory_space<hbm>> -> memref<1000002x64xf32, #tpu.memory_space<hbm>>
    %dma_start3A_45 = tpu.memref_slice %arg7[%dma_start3A_34] : memref<10x!tpu.dma_semaphore, #tpu.memory_space<semaphore_mem>> -> memref<1x!tpu.dma_semaphore, #tpu.memory_space<semaphore_mem>>
    %dma_start3A_46 = tpu.memref_squeeze %dma_start3A_45 : memref<1x!tpu.dma_semaphore, #tpu.memory_space<semaphore_mem>> -> memref<!tpu.dma_semaphore, #tpu.memory_space<semaphore_mem>>
    tpu.enqueue_indirect_dma source(%dma_start3A_44 : memref<1000002x64xf32, #tpu.memory_space<hbm>>) target(%dma_start3A_38 : memref<128x64xf32, #tpu.memory_space<vmem>>) offsets(%dma_start3A_41 : memref<128xi32, #tpu.memory_space<vmem>>) semaphore(%dma_start3A_46 : memref<!tpu.dma_semaphore, #tpu.memory_space<semaphore_mem>>)
    %dma_start3A_47 = arith.constant 3 : i32
    %dma_start3A_48 = arith.constant 3 : i32
    %dma_start3A_49 = arith.constant 3 : i32
    %dma_start3A_50 = arith.constant 0 : i32
    %dma_start3A_51 = arith.constant 0 : i32
    %dma_start3A_52 = tpu.memref_slice %arg6[%dma_start3A_48, %dma_start3A_50, %dma_start3A_51] : memref<10x128x64xf32, #tpu.memory_space<vmem>> -> memref<1x128x64xf32, #tpu.memory_space<vmem>>
    %dma_start3A_53 = tpu.memref_squeeze %dma_start3A_52 : memref<1x128x64xf32, #tpu.memory_space<vmem>> -> memref<128x64xf32, #tpu.memory_space<vmem>>
    %dma_start3A_54 = arith.constant 0 : i32
    %dma_start3A_55 = tpu.memref_slice %arg5[%dma_start3A_47, %dma_start3A_54] : memref<200x128xi32, #tpu.memory_space<vmem>> -> memref<1x128xi32, #tpu.memory_space<vmem>>
    %dma_start3A_56 = tpu.memref_squeeze %dma_start3A_55 : memref<1x128xi32, #tpu.memory_space<vmem>> -> memref<128xi32, #tpu.memory_space<vmem>>
    %dma_start3A_57 = arith.constant 0 : i32
    %dma_start3A_58 = arith.constant 0 : i32
    %dma_start3A_59 = tpu.memref_slice %arg3[%dma_start3A_57, %dma_start3A_58] : memref<1000002x64xf32, #tpu.memory_space<hbm>> -> memref<1000002x64xf32, #tpu.memory_space<hbm>>
    %dma_start3A_60 = tpu.memref_slice %arg7[%dma_start3A_49] : memref<10x!tpu.dma_semaphore, #tpu.memory_space<semaphore_mem>> -> memref<1x!tpu.dma_semaphore, #tpu.memory_space<semaphore_mem>>
    %dma_start3A_61 = tpu.memref_squeeze %dma_start3A_60 : memref<1x!tpu.dma_semaphore, #tpu.memory_space<semaphore_mem>> -> memref<!tpu.dma_semaphore, #tpu.memory_space<semaphore_mem>>
    tpu.enqueue_indirect_dma source(%dma_start3A_59 : memref<1000002x64xf32, #tpu.memory_space<hbm>>) target(%dma_start3A_53 : memref<128x64xf32, #tpu.memory_space<vmem>>) offsets(%dma_start3A_56 : memref<128xi32, #tpu.memory_space<vmem>>) semaphore(%dma_start3A_61 : memref<!tpu.dma_semaphore, #tpu.memory_space<semaphore_mem>>)
    %dma_start3A_62 = arith.constant 4 : i32
    %dma_start3A_63 = arith.constant 4 : i32
    %dma_start3A_64 = arith.constant 4 : i32
    %dma_start3A_65 = arith.constant 0 : i32
    %dma_start3A_66 = arith.constant 0 : i32
    %dma_start3A_67 = tpu.memref_slice %arg6[%dma_start3A_63, %dma_start3A_65, %dma_start3A_66] : memref<10x128x64xf32, #tpu.memory_space<vmem>> -> memref<1x128x64xf32, #tpu.memory_space<vmem>>
    %dma_start3A_68 = tpu.memref_squeeze %dma_start3A_67 : memref<1x128x64xf32, #tpu.memory_space<vmem>> -> memref<128x64xf32, #tpu.memory_space<vmem>>
    %dma_start3A_69 = arith.constant 0 : i32
    %dma_start3A_70 = tpu.memref_slice %arg5[%dma_start3A_62, %dma_start3A_69] : memref<200x128xi32, #tpu.memory_space<vmem>> -> memref<1x128xi32, #tpu.memory_space<vmem>>
    %dma_start3A_71 = tpu.memref_squeeze %dma_start3A_70 : memref<1x128xi32, #tpu.memory_space<vmem>> -> memref<128xi32, #tpu.memory_space<vmem>>
    %dma_start3A_72 = arith.constant 0 : i32
    %dma_start3A_73 = arith.constant 0 : i32
    %dma_start3A_74 = tpu.memref_slice %arg3[%dma_start3A_72, %dma_start3A_73] : memref<1000002x64xf32, #tpu.memory_space<hbm>> -> memref<1000002x64xf32, #tpu.memory_space<hbm>>
    %dma_start3A_75 = tpu.memref_slice %arg7[%dma_start3A_64] : memref<10x!tpu.dma_semaphore, #tpu.memory_space<semaphore_mem>> -> memref<1x!tpu.dma_semaphore, #tpu.memory_space<semaphore_mem>>
    %dma_start3A_76 = tpu.memref_squeeze %dma_start3A_75 : memref<1x!tpu.dma_semaphore, #tpu.memory_space<semaphore_mem>> -> memref<!tpu.dma_semaphore, #tpu.memory_space<semaphore_mem>>
    tpu.enqueue_indirect_dma source(%dma_start3A_74 : memref<1000002x64xf32, #tpu.memory_space<hbm>>) target(%dma_start3A_68 : memref<128x64xf32, #tpu.memory_space<vmem>>) offsets(%dma_start3A_71 : memref<128xi32, #tpu.memory_space<vmem>>) semaphore(%dma_start3A_76 : memref<!tpu.dma_semaphore, #tpu.memory_space<semaphore_mem>>)
    %dma_start3A_77 = arith.constant 5 : i32
    %dma_start3A_78 = arith.constant 5 : i32
    %dma_start3A_79 = arith.constant 5 : i32
    %dma_start3A_80 = arith.constant 0 : i32
    %dma_start3A_81 = arith.constant 0 : i32
    %dma_start3A_82 = tpu.memref_slice %arg6[%dma_start3A_78, %dma_start3A_80, %dma_start3A_81] : memref<10x128x64xf32, #tpu.memory_space<vmem>> -> memref<1x128x64xf32, #tpu.memory_space<vmem>>
    %dma_start3A_83 = tpu.memref_squeeze %dma_start3A_82 : memref<1x128x64xf32, #tpu.memory_space<vmem>> -> memref<128x64xf32, #tpu.memory_space<vmem>>
    %dma_start3A_84 = arith.constant 0 : i32
    %dma_start3A_85 = tpu.memref_slice %arg5[%dma_start3A_77, %dma_start3A_84] : memref<200x128xi32, #tpu.memory_space<vmem>> -> memref<1x128xi32, #tpu.memory_space<vmem>>
    %dma_start3A_86 = tpu.memref_squeeze %dma_start3A_85 : memref<1x128xi32, #tpu.memory_space<vmem>> -> memref<128xi32, #tpu.memory_space<vmem>>
    %dma_start3A_87 = arith.constant 0 : i32
    %dma_start3A_88 = arith.constant 0 : i32
    %dma_start3A_89 = tpu.memref_slice %arg3[%dma_start3A_87, %dma_start3A_88] : memref<1000002x64xf32, #tpu.memory_space<hbm>> -> memref<1000002x64xf32, #tpu.memory_space<hbm>>
    %dma_start3A_90 = tpu.memref_slice %arg7[%dma_start3A_79] : memref<10x!tpu.dma_semaphore, #tpu.memory_space<semaphore_mem>> -> memref<1x!tpu.dma_semaphore, #tpu.memory_space<semaphore_mem>>
    %dma_start3A_91 = tpu.memref_squeeze %dma_start3A_90 : memref<1x!tpu.dma_semaphore, #tpu.memory_space<semaphore_mem>> -> memref<!tpu.dma_semaphore, #tpu.memory_space<semaphore_mem>>
    tpu.enqueue_indirect_dma source(%dma_start3A_89 : memref<1000002x64xf32, #tpu.memory_space<hbm>>) target(%dma_start3A_83 : memref<128x64xf32, #tpu.memory_space<vmem>>) offsets(%dma_start3A_86 : memref<128xi32, #tpu.memory_space<vmem>>) semaphore(%dma_start3A_91 : memref<!tpu.dma_semaphore, #tpu.memory_space<semaphore_mem>>)
    %dma_start3A_92 = arith.constant 6 : i32
    %dma_start3A_93 = arith.constant 6 : i32
    %dma_start3A_94 = arith.constant 6 : i32
    %dma_start3A_95 = arith.constant 0 : i32
    %dma_start3A_96 = arith.constant 0 : i32
    %dma_start3A_97 = tpu.memref_slice %arg6[%dma_start3A_93, %dma_start3A_95, %dma_start3A_96] : memref<10x128x64xf32, #tpu.memory_space<vmem>> -> memref<1x128x64xf32, #tpu.memory_space<vmem>>
    %dma_start3A_98 = tpu.memref_squeeze %dma_start3A_97 : memref<1x128x64xf32, #tpu.memory_space<vmem>> -> memref<128x64xf32, #tpu.memory_space<vmem>>
    %dma_start3A_99 = arith.constant 0 : i32
    %dma_start3A_100 = tpu.memref_slice %arg5[%dma_start3A_92, %dma_start3A_99] : memref<200x128xi32, #tpu.memory_space<vmem>> -> memref<1x128xi32, #tpu.memory_space<vmem>>
    %dma_start3A_101 = tpu.memref_squeeze %dma_start3A_100 : memref<1x128xi32, #tpu.memory_space<vmem>> -> memref<128xi32, #tpu.memory_space<vmem>>
    %dma_start3A_102 = arith.constant 0 : i32
    %dma_start3A_103 = arith.constant 0 : i32
    %dma_start3A_104 = tpu.memref_slice %arg3[%dma_start3A_102, %dma_start3A_103] : memref<1000002x64xf32, #tpu.memory_space<hbm>> -> memref<1000002x64xf32, #tpu.memory_space<hbm>>
    %dma_start3A_105 = tpu.memref_slice %arg7[%dma_start3A_94] : memref<10x!tpu.dma_semaphore, #tpu.memory_space<semaphore_mem>> -> memref<1x!tpu.dma_semaphore, #tpu.memory_space<semaphore_mem>>
    %dma_start3A_106 = tpu.memref_squeeze %dma_start3A_105 : memref<1x!tpu.dma_semaphore, #tpu.memory_space<semaphore_mem>> -> memref<!tpu.dma_semaphore, #tpu.memory_space<semaphore_mem>>
    tpu.enqueue_indirect_dma source(%dma_start3A_104 : memref<1000002x64xf32, #tpu.memory_space<hbm>>) target(%dma_start3A_98 : memref<128x64xf32, #tpu.memory_space<vmem>>) offsets(%dma_start3A_101 : memref<128xi32, #tpu.memory_space<vmem>>) semaphore(%dma_start3A_106 : memref<!tpu.dma_semaphore, #tpu.memory_space<semaphore_mem>>)
    %dma_start3A_107 = arith.constant 7 : i32
    %dma_start3A_108 = arith.constant 7 : i32
    %dma_start3A_109 = arith.constant 7 : i32
    %dma_start3A_110 = arith.constant 0 : i32
    %dma_start3A_111 = arith.constant 0 : i32
    %dma_start3A_112 = tpu.memref_slice %arg6[%dma_start3A_108, %dma_start3A_110, %dma_start3A_111] : memref<10x128x64xf32, #tpu.memory_space<vmem>> -> memref<1x128x64xf32, #tpu.memory_space<vmem>>
    %dma_start3A_113 = tpu.memref_squeeze %dma_start3A_112 : memref<1x128x64xf32, #tpu.memory_space<vmem>> -> memref<128x64xf32, #tpu.memory_space<vmem>>
    %dma_start3A_114 = arith.constant 0 : i32
    %dma_start3A_115 = tpu.memref_slice %arg5[%dma_start3A_107, %dma_start3A_114] : memref<200x128xi32, #tpu.memory_space<vmem>> -> memref<1x128xi32, #tpu.memory_space<vmem>>
    %dma_start3A_116 = tpu.memref_squeeze %dma_start3A_115 : memref<1x128xi32, #tpu.memory_space<vmem>> -> memref<128xi32, #tpu.memory_space<vmem>>
    %dma_start3A_117 = arith.constant 0 : i32
    %dma_start3A_118 = arith.constant 0 : i32
    %dma_start3A_119 = tpu.memref_slice %arg3[%dma_start3A_117, %dma_start3A_118] : memref<1000002x64xf32, #tpu.memory_space<hbm>> -> memref<1000002x64xf32, #tpu.memory_space<hbm>>
    %dma_start3A_120 = tpu.memref_slice %arg7[%dma_start3A_109] : memref<10x!tpu.dma_semaphore, #tpu.memory_space<semaphore_mem>> -> memref<1x!tpu.dma_semaphore, #tpu.memory_space<semaphore_mem>>
    %dma_start3A_121 = tpu.memref_squeeze %dma_start3A_120 : memref<1x!tpu.dma_semaphore, #tpu.memory_space<semaphore_mem>> -> memref<!tpu.dma_semaphore, #tpu.memory_space<semaphore_mem>>
    tpu.enqueue_indirect_dma source(%dma_start3A_119 : memref<1000002x64xf32, #tpu.memory_space<hbm>>) target(%dma_start3A_113 : memref<128x64xf32, #tpu.memory_space<vmem>>) offsets(%dma_start3A_116 : memref<128xi32, #tpu.memory_space<vmem>>) semaphore(%dma_start3A_121 : memref<!tpu.dma_semaphore, #tpu.memory_space<semaphore_mem>>)
    %dma_start3A_122 = arith.constant 8 : i32
    %dma_start3A_123 = arith.constant 8 : i32
    %dma_start3A_124 = arith.constant 8 : i32
    %dma_start3A_125 = arith.constant 0 : i32
    %dma_start3A_126 = arith.constant 0 : i32
    %dma_start3A_127 = tpu.memref_slice %arg6[%dma_start3A_123, %dma_start3A_125, %dma_start3A_126] : memref<10x128x64xf32, #tpu.memory_space<vmem>> -> memref<1x128x64xf32, #tpu.memory_space<vmem>>
    %dma_start3A_128 = tpu.memref_squeeze %dma_start3A_127 : memref<1x128x64xf32, #tpu.memory_space<vmem>> -> memref<128x64xf32, #tpu.memory_space<vmem>>
    %dma_start3A_129 = arith.constant 0 : i32
    %dma_start3A_130 = tpu.memref_slice %arg5[%dma_start3A_122, %dma_start3A_129] : memref<200x128xi32, #tpu.memory_space<vmem>> -> memref<1x128xi32, #tpu.memory_space<vmem>>
    %dma_start3A_131 = tpu.memref_squeeze %dma_start3A_130 : memref<1x128xi32, #tpu.memory_space<vmem>> -> memref<128xi32, #tpu.memory_space<vmem>>
    %dma_start3A_132 = arith.constant 0 : i32
    %dma_start3A_133 = arith.constant 0 : i32
    %dma_start3A_134 = tpu.memref_slice %arg3[%dma_start3A_132, %dma_start3A_133] : memref<1000002x64xf32, #tpu.memory_space<hbm>> -> memref<1000002x64xf32, #tpu.memory_space<hbm>>
    %dma_start3A_135 = tpu.memref_slice %arg7[%dma_start3A_124] : memref<10x!tpu.dma_semaphore, #tpu.memory_space<semaphore_mem>> -> memref<1x!tpu.dma_semaphore, #tpu.memory_space<semaphore_mem>>
    %dma_start3A_136 = tpu.memref_squeeze %dma_start3A_135 : memref<1x!tpu.dma_semaphore, #tpu.memory_space<semaphore_mem>> -> memref<!tpu.dma_semaphore, #tpu.memory_space<semaphore_mem>>
    tpu.enqueue_indirect_dma source(%dma_start3A_134 : memref<1000002x64xf32, #tpu.memory_space<hbm>>) target(%dma_start3A_128 : memref<128x64xf32, #tpu.memory_space<vmem>>) offsets(%dma_start3A_131 : memref<128xi32, #tpu.memory_space<vmem>>) semaphore(%dma_start3A_136 : memref<!tpu.dma_semaphore, #tpu.memory_space<semaphore_mem>>)
    %dma_start3A_137 = arith.constant 9 : i32
    %dma_start3A_138 = arith.constant 9 : i32
    %dma_start3A_139 = arith.constant 9 : i32
    %dma_start3A_140 = arith.constant 0 : i32
    %dma_start3A_141 = arith.constant 0 : i32
    %dma_start3A_142 = tpu.memref_slice %arg6[%dma_start3A_138, %dma_start3A_140, %dma_start3A_141] : memref<10x128x64xf32, #tpu.memory_space<vmem>> -> memref<1x128x64xf32, #tpu.memory_space<vmem>>
    %dma_start3A_143 = tpu.memref_squeeze %dma_start3A_142 : memref<1x128x64xf32, #tpu.memory_space<vmem>> -> memref<128x64xf32, #tpu.memory_space<vmem>>
    %dma_start3A_144 = arith.constant 0 : i32
    %dma_start3A_145 = tpu.memref_slice %arg5[%dma_start3A_137, %dma_start3A_144] : memref<200x128xi32, #tpu.memory_space<vmem>> -> memref<1x128xi32, #tpu.memory_space<vmem>>
    %dma_start3A_146 = tpu.memref_squeeze %dma_start3A_145 : memref<1x128xi32, #tpu.memory_space<vmem>> -> memref<128xi32, #tpu.memory_space<vmem>>
    %dma_start3A_147 = arith.constant 0 : i32
    %dma_start3A_148 = arith.constant 0 : i32
    %dma_start3A_149 = tpu.memref_slice %arg3[%dma_start3A_147, %dma_start3A_148] : memref<1000002x64xf32, #tpu.memory_space<hbm>> -> memref<1000002x64xf32, #tpu.memory_space<hbm>>
    %dma_start3A_150 = tpu.memref_slice %arg7[%dma_start3A_139] : memref<10x!tpu.dma_semaphore, #tpu.memory_space<semaphore_mem>> -> memref<1x!tpu.dma_semaphore, #tpu.memory_space<semaphore_mem>>
    %dma_start3A_151 = tpu.memref_squeeze %dma_start3A_150 : memref<1x!tpu.dma_semaphore, #tpu.memory_space<semaphore_mem>> -> memref<!tpu.dma_semaphore, #tpu.memory_space<semaphore_mem>>
    tpu.enqueue_indirect_dma source(%dma_start3A_149 : memref<1000002x64xf32, #tpu.memory_space<hbm>>) target(%dma_start3A_143 : memref<128x64xf32, #tpu.memory_space<vmem>>) offsets(%dma_start3A_146 : memref<128xi32, #tpu.memory_space<vmem>>) semaphore(%dma_start3A_151 : memref<!tpu.dma_semaphore, #tpu.memory_space<semaphore_mem>>)
    %scan3A = arith.constant 0 : i32
    %scan3A_152 = arith.constant 0 : i32
    %scan3A_153 = arith.constant 20 : i32
    %scan3A_154 = arith.addi %scan3A_152, %scan3A_153 : i32
    %scan3A_155 = arith.constant 1 : i32
    scf.for %scan3A_157 = %scan3A_152 to %scan3A_154 step %scan3A_155  : i32 {
      %mul3A_158 = arith.constant 10 : i32
      %mul3A_159 = arith.muli %scan3A_157, %mul3A_158 : i32
      %add3A_160 = arith.constant 0 : i32
      %add3A_161 = arith.addi %mul3A_159, %add3A_160 : i32
      %dma_wait3A = arith.constant 0 : i32
      %dma_wait3A_162 = arith.constant 0 : i32
      %dma_wait3A_163 = arith.constant 0 : i32
      %dma_wait3A_164 = arith.constant 0 : i32
      %dma_wait3A_165 = tpu.memref_slice %arg6[%dma_wait3A, %dma_wait3A_163, %dma_wait3A_164] : memref<10x128x64xf32, #tpu.memory_space<vmem>> -> memref<1x128x64xf32, #tpu.memory_space<vmem>>
      %dma_wait3A_166 = tpu.memref_squeeze %dma_wait3A_165 : memref<1x128x64xf32, #tpu.memory_space<vmem>> -> memref<128x64xf32, #tpu.memory_space<vmem>>
      %dma_wait3A_167 = arith.constant 0 : i32
      %dma_wait3A_168 = tpu.memref_slice %arg5[%add3A_161, %dma_wait3A_167] : memref<200x128xi32, #tpu.memory_space<vmem>> -> memref<1x128xi32, #tpu.memory_space<vmem>>
      %dma_wait3A_169 = tpu.memref_squeeze %dma_wait3A_168 : memref<1x128xi32, #tpu.memory_space<vmem>> -> memref<128xi32, #tpu.memory_space<vmem>>
      %dma_wait3A_170 = arith.constant 0 : i32
      %dma_wait3A_171 = arith.constant 0 : i32
      %dma_wait3A_172 = tpu.memref_slice %arg3[%dma_wait3A_170, %dma_wait3A_171] : memref<1000002x64xf32, #tpu.memory_space<hbm>> -> memref<1000002x64xf32, #tpu.memory_space<hbm>>
      %dma_wait3A_173 = tpu.memref_slice %arg7[%dma_wait3A_162] : memref<10x!tpu.dma_semaphore, #tpu.memory_space<semaphore_mem>> -> memref<1x!tpu.dma_semaphore, #tpu.memory_space<semaphore_mem>>
      %dma_wait3A_174 = tpu.memref_squeeze %dma_wait3A_173 : memref<1x!tpu.dma_semaphore, #tpu.memory_space<semaphore_mem>> -> memref<!tpu.dma_semaphore, #tpu.memory_space<semaphore_mem>>
      tpu.wait_indirect_dma semaphore(%dma_wait3A_174 : memref<!tpu.dma_semaphore, #tpu.memory_space<semaphore_mem>>) src(%dma_wait3A_172 : memref<1000002x64xf32, #tpu.memory_space<hbm>>) dst(%dma_wait3A_166 : memref<128x64xf32, #tpu.memory_space<vmem>>)
      %mul3A_175 = arith.constant 128 : i32
      %mul3A_176 = arith.muli %add3A_161, %mul3A_175 : i32
      %add3A_177 = arith.addi %mul3A_2, %mul3A_176 : i32
      %dma_start3A_178 = arith.constant 0 : i32
      %dma_start3A_179 = arith.constant 0 : i32
      %dma_start3A_180 = arith.constant 0 : i32
      %dma_start3A_181 = arith.constant 0 : i32
      %dma_start3A_182 = tpu.memref_slice %arg6[%dma_start3A_178, %dma_start3A_180, %dma_start3A_181] : memref<10x128x64xf32, #tpu.memory_space<vmem>> -> memref<1x128x64xf32, #tpu.memory_space<vmem>>
      %dma_start3A_183 = tpu.memref_squeeze %dma_start3A_182 : memref<1x128x64xf32, #tpu.memory_space<vmem>> -> memref<128x64xf32, #tpu.memory_space<vmem>>
      %dma_start3A_184 = arith.constant 0 : i32
      %dma_start3A_185 = tpu.memref_slice %arg4[%add3A_177, %dma_start3A_184] : memref<819200x128xf32, #tpu.memory_space<hbm>> -> memref<128x64xf32, #tpu.memory_space<hbm>>
      %dma_start3A_186 = tpu.memref_slice %arg8[%dma_start3A_179] : memref<10x!tpu.dma_semaphore, #tpu.memory_space<semaphore_mem>> -> memref<1x!tpu.dma_semaphore, #tpu.memory_space<semaphore_mem>>
      %dma_start3A_187 = tpu.memref_squeeze %dma_start3A_186 : memref<1x!tpu.dma_semaphore, #tpu.memory_space<semaphore_mem>> -> memref<!tpu.dma_semaphore, #tpu.memory_space<semaphore_mem>>
      %dma_start3A_188 = arith.constant 0 : i32
      %dma_start3A_189 = tpu.memref_slice %arg4[%add3A_177, %dma_start3A_188] : memref<819200x128xf32, #tpu.memory_space<hbm>> -> memref<128x64xf32, #tpu.memory_space<hbm>>
      %dma_start3A_190 = arith.constant 0 : i32
      %dma_start3A_191 = arith.constant 0 : i32
      %dma_start3A_192 = tpu.memref_slice %arg6[%dma_start3A_178, %dma_start3A_190, %dma_start3A_191] : memref<10x128x64xf32, #tpu.memory_space<vmem>> -> memref<1x128x64xf32, #tpu.memory_space<vmem>>
      %dma_start3A_193 = tpu.memref_squeeze %dma_start3A_192 : memref<1x128x64xf32, #tpu.memory_space<vmem>> -> memref<128x64xf32, #tpu.memory_space<vmem>>
      tpu.enqueue_dma source(%dma_start3A_193 : memref<128x64xf32, #tpu.memory_space<vmem>>) target(%dma_start3A_189 : memref<128x64xf32, #tpu.memory_space<hbm>>) target_semaphore(%dma_start3A_187 : memref<!tpu.dma_semaphore, #tpu.memory_space<semaphore_mem>>)
      %dma_wait3A_194 = arith.constant 0 : i32
      %dma_wait3A_195 = arith.constant 0 : i32
      %dma_wait3A_196 = arith.constant 0 : i32
      %dma_wait3A_197 = arith.constant 0 : i32
      %dma_wait3A_198 = tpu.memref_slice %arg6[%dma_wait3A_194, %dma_wait3A_196, %dma_wait3A_197] : memref<10x128x64xf32, #tpu.memory_space<vmem>> -> memref<1x128x64xf32, #tpu.memory_space<vmem>>
      %dma_wait3A_199 = tpu.memref_squeeze %dma_wait3A_198 : memref<1x128x64xf32, #tpu.memory_space<vmem>> -> memref<128x64xf32, #tpu.memory_space<vmem>>
      %dma_wait3A_200 = arith.constant 0 : i32
      %dma_wait3A_201 = tpu.memref_slice %arg4[%add3A_177, %dma_wait3A_200] : memref<819200x128xf32, #tpu.memory_space<hbm>> -> memref<128x64xf32, #tpu.memory_space<hbm>>
      %dma_wait3A_202 = tpu.memref_slice %arg8[%dma_wait3A_195] : memref<10x!tpu.dma_semaphore, #tpu.memory_space<semaphore_mem>> -> memref<1x!tpu.dma_semaphore, #tpu.memory_space<semaphore_mem>>
      %dma_wait3A_203 = tpu.memref_squeeze %dma_wait3A_202 : memref<1x!tpu.dma_semaphore, #tpu.memory_space<semaphore_mem>> -> memref<!tpu.dma_semaphore, #tpu.memory_space<semaphore_mem>>
      %dma_wait3A_204 = arith.constant 0 : i32
      %dma_wait3A_205 = tpu.memref_slice %arg4[%add3A_177, %dma_wait3A_204] : memref<819200x128xf32, #tpu.memory_space<hbm>> -> memref<128x64xf32, #tpu.memory_space<hbm>>
      %dma_wait3A_206 = arith.constant 0 : i32
      %dma_wait3A_207 = arith.constant 0 : i32
      %dma_wait3A_208 = tpu.memref_slice %arg6[%dma_wait3A_194, %dma_wait3A_206, %dma_wait3A_207] : memref<10x128x64xf32, #tpu.memory_space<vmem>> -> memref<1x128x64xf32, #tpu.memory_space<vmem>>
      %dma_wait3A_209 = tpu.memref_squeeze %dma_wait3A_208 : memref<1x128x64xf32, #tpu.memory_space<vmem>> -> memref<128x64xf32, #tpu.memory_space<vmem>>
      tpu.wait_dma2 semaphore(%dma_wait3A_203 : memref<!tpu.dma_semaphore, #tpu.memory_space<semaphore_mem>>) src(%dma_wait3A_209 : memref<128x64xf32, #tpu.memory_space<vmem>>) dst(%dma_wait3A_205 : memref<128x64xf32, #tpu.memory_space<hbm>>)
      %add3A_210 = arith.constant 10 : i32
      %add3A_211 = arith.addi %add3A_161, %add3A_210 : i32
      %lt3A = arith.constant 200 : i32
      %lt3A_212 = arith.cmpi slt, %add3A_211, %lt3A : i32
      %convert_element_type3A = arith.extui %lt3A_212 : i1 to i32
      %cond3A = arith.constant 0 : i32
      %cond3A_213 = arith.cmpi ne, %convert_element_type3A, %cond3A : i32
      scf.if %cond3A_213 {
        %add3A_754 = arith.constant 10 : i32
        %add3A_755 = arith.addi %add3A_161, %add3A_754 : i32
        %dma_start3A_756 = arith.constant 0 : i32
        %dma_start3A_757 = arith.constant 0 : i32
        %dma_start3A_758 = arith.constant 0 : i32
        %dma_start3A_759 = arith.constant 0 : i32
        %dma_start3A_760 = tpu.memref_slice %arg6[%dma_start3A_756, %dma_start3A_758, %dma_start3A_759] : memref<10x128x64xf32, #tpu.memory_space<vmem>> -> memref<1x128x64xf32, #tpu.memory_space<vmem>>
        %dma_start3A_761 = tpu.memref_squeeze %dma_start3A_760 : memref<1x128x64xf32, #tpu.memory_space<vmem>> -> memref<128x64xf32, #tpu.memory_space<vmem>>
        %dma_start3A_762 = arith.constant 0 : i32
        %dma_start3A_763 = tpu.memref_slice %arg5[%add3A_755, %dma_start3A_762] : memref<200x128xi32, #tpu.memory_space<vmem>> -> memref<1x128xi32, #tpu.memory_space<vmem>>
        %dma_start3A_764 = tpu.memref_squeeze %dma_start3A_763 : memref<1x128xi32, #tpu.memory_space<vmem>> -> memref<128xi32, #tpu.memory_space<vmem>>
        %dma_start3A_765 = arith.constant 0 : i32
        %dma_start3A_766 = arith.constant 0 : i32
        %dma_start3A_767 = tpu.memref_slice %arg3[%dma_start3A_765, %dma_start3A_766] : memref<1000002x64xf32, #tpu.memory_space<hbm>> -> memref<1000002x64xf32, #tpu.memory_space<hbm>>
        %dma_start3A_768 = tpu.memref_slice %arg7[%dma_start3A_757] : memref<10x!tpu.dma_semaphore, #tpu.memory_space<semaphore_mem>> -> memref<1x!tpu.dma_semaphore, #tpu.memory_space<semaphore_mem>>
        %dma_start3A_769 = tpu.memref_squeeze %dma_start3A_768 : memref<1x!tpu.dma_semaphore, #tpu.memory_space<semaphore_mem>> -> memref<!tpu.dma_semaphore, #tpu.memory_space<semaphore_mem>>
        tpu.enqueue_indirect_dma source(%dma_start3A_767 : memref<1000002x64xf32, #tpu.memory_space<hbm>>) target(%dma_start3A_761 : memref<128x64xf32, #tpu.memory_space<vmem>>) offsets(%dma_start3A_764 : memref<128xi32, #tpu.memory_space<vmem>>) semaphore(%dma_start3A_769 : memref<!tpu.dma_semaphore, #tpu.memory_space<semaphore_mem>>)
      } else {
      }
      %mul3A_214 = arith.constant 10 : i32
      %mul3A_215 = arith.muli %scan3A_157, %mul3A_214 : i32
      %add3A_216 = arith.constant 1 : i32
      %add3A_217 = arith.addi %mul3A_215, %add3A_216 : i32
      %dma_wait3A_218 = arith.constant 1 : i32
      %dma_wait3A_219 = arith.constant 1 : i32
      %dma_wait3A_220 = arith.constant 0 : i32
      %dma_wait3A_221 = arith.constant 0 : i32
      %dma_wait3A_222 = tpu.memref_slice %arg6[%dma_wait3A_218, %dma_wait3A_220, %dma_wait3A_221] : memref<10x128x64xf32, #tpu.memory_space<vmem>> -> memref<1x128x64xf32, #tpu.memory_space<vmem>>
      %dma_wait3A_223 = tpu.memref_squeeze %dma_wait3A_222 : memref<1x128x64xf32, #tpu.memory_space<vmem>> -> memref<128x64xf32, #tpu.memory_space<vmem>>
      %dma_wait3A_224 = arith.constant 0 : i32
      %dma_wait3A_225 = tpu.memref_slice %arg5[%add3A_217, %dma_wait3A_224] : memref<200x128xi32, #tpu.memory_space<vmem>> -> memref<1x128xi32, #tpu.memory_space<vmem>>
      %dma_wait3A_226 = tpu.memref_squeeze %dma_wait3A_225 : memref<1x128xi32, #tpu.memory_space<vmem>> -> memref<128xi32, #tpu.memory_space<vmem>>
      %dma_wait3A_227 = arith.constant 0 : i32
      %dma_wait3A_228 = arith.constant 0 : i32
      %dma_wait3A_229 = tpu.memref_slice %arg3[%dma_wait3A_227, %dma_wait3A_228] : memref<1000002x64xf32, #tpu.memory_space<hbm>> -> memref<1000002x64xf32, #tpu.memory_space<hbm>>
      %dma_wait3A_230 = tpu.memref_slice %arg7[%dma_wait3A_219] : memref<10x!tpu.dma_semaphore, #tpu.memory_space<semaphore_mem>> -> memref<1x!tpu.dma_semaphore, #tpu.memory_space<semaphore_mem>>
      %dma_wait3A_231 = tpu.memref_squeeze %dma_wait3A_230 : memref<1x!tpu.dma_semaphore, #tpu.memory_space<semaphore_mem>> -> memref<!tpu.dma_semaphore, #tpu.memory_space<semaphore_mem>>
      tpu.wait_indirect_dma semaphore(%dma_wait3A_231 : memref<!tpu.dma_semaphore, #tpu.memory_space<semaphore_mem>>) src(%dma_wait3A_229 : memref<1000002x64xf32, #tpu.memory_space<hbm>>) dst(%dma_wait3A_223 : memref<128x64xf32, #tpu.memory_space<vmem>>)
      %mul3A_232 = arith.constant 128 : i32
      %mul3A_233 = arith.muli %add3A_217, %mul3A_232 : i32
      %add3A_234 = arith.addi %mul3A_2, %mul3A_233 : i32
      %dma_start3A_235 = arith.constant 1 : i32
      %dma_start3A_236 = arith.constant 1 : i32
      %dma_start3A_237 = arith.constant 0 : i32
      %dma_start3A_238 = arith.constant 0 : i32
      %dma_start3A_239 = tpu.memref_slice %arg6[%dma_start3A_235, %dma_start3A_237, %dma_start3A_238] : memref<10x128x64xf32, #tpu.memory_space<vmem>> -> memref<1x128x64xf32, #tpu.memory_space<vmem>>
      %dma_start3A_240 = tpu.memref_squeeze %dma_start3A_239 : memref<1x128x64xf32, #tpu.memory_space<vmem>> -> memref<128x64xf32, #tpu.memory_space<vmem>>
      %dma_start3A_241 = arith.constant 0 : i32
      %dma_start3A_242 = tpu.memref_slice %arg4[%add3A_234, %dma_start3A_241] : memref<819200x128xf32, #tpu.memory_space<hbm>> -> memref<128x64xf32, #tpu.memory_space<hbm>>
      %dma_start3A_243 = tpu.memref_slice %arg8[%dma_start3A_236] : memref<10x!tpu.dma_semaphore, #tpu.memory_space<semaphore_mem>> -> memref<1x!tpu.dma_semaphore, #tpu.memory_space<semaphore_mem>>
      %dma_start3A_244 = tpu.memref_squeeze %dma_start3A_243 : memref<1x!tpu.dma_semaphore, #tpu.memory_space<semaphore_mem>> -> memref<!tpu.dma_semaphore, #tpu.memory_space<semaphore_mem>>
      %dma_start3A_245 = arith.constant 0 : i32
      %dma_start3A_246 = tpu.memref_slice %arg4[%add3A_234, %dma_start3A_245] : memref<819200x128xf32, #tpu.memory_space<hbm>> -> memref<128x64xf32, #tpu.memory_space<hbm>>
      %dma_start3A_247 = arith.constant 0 : i32
      %dma_start3A_248 = arith.constant 0 : i32
      %dma_start3A_249 = tpu.memref_slice %arg6[%dma_start3A_235, %dma_start3A_247, %dma_start3A_248] : memref<10x128x64xf32, #tpu.memory_space<vmem>> -> memref<1x128x64xf32, #tpu.memory_space<vmem>>
      %dma_start3A_250 = tpu.memref_squeeze %dma_start3A_249 : memref<1x128x64xf32, #tpu.memory_space<vmem>> -> memref<128x64xf32, #tpu.memory_space<vmem>>
      tpu.enqueue_dma source(%dma_start3A_250 : memref<128x64xf32, #tpu.memory_space<vmem>>) target(%dma_start3A_246 : memref<128x64xf32, #tpu.memory_space<hbm>>) target_semaphore(%dma_start3A_244 : memref<!tpu.dma_semaphore, #tpu.memory_space<semaphore_mem>>)
      %dma_wait3A_251 = arith.constant 1 : i32
      %dma_wait3A_252 = arith.constant 1 : i32
      %dma_wait3A_253 = arith.constant 0 : i32
      %dma_wait3A_254 = arith.constant 0 : i32
      %dma_wait3A_255 = tpu.memref_slice %arg6[%dma_wait3A_251, %dma_wait3A_253, %dma_wait3A_254] : memref<10x128x64xf32, #tpu.memory_space<vmem>> -> memref<1x128x64xf32, #tpu.memory_space<vmem>>
      %dma_wait3A_256 = tpu.memref_squeeze %dma_wait3A_255 : memref<1x128x64xf32, #tpu.memory_space<vmem>> -> memref<128x64xf32, #tpu.memory_space<vmem>>
      %dma_wait3A_257 = arith.constant 0 : i32
      %dma_wait3A_258 = tpu.memref_slice %arg4[%add3A_234, %dma_wait3A_257] : memref<819200x128xf32, #tpu.memory_space<hbm>> -> memref<128x64xf32, #tpu.memory_space<hbm>>
      %dma_wait3A_259 = tpu.memref_slice %arg8[%dma_wait3A_252] : memref<10x!tpu.dma_semaphore, #tpu.memory_space<semaphore_mem>> -> memref<1x!tpu.dma_semaphore, #tpu.memory_space<semaphore_mem>>
      %dma_wait3A_260 = tpu.memref_squeeze %dma_wait3A_259 : memref<1x!tpu.dma_semaphore, #tpu.memory_space<semaphore_mem>> -> memref<!tpu.dma_semaphore, #tpu.memory_space<semaphore_mem>>
      %dma_wait3A_261 = arith.constant 0 : i32
      %dma_wait3A_262 = tpu.memref_slice %arg4[%add3A_234, %dma_wait3A_261] : memref<819200x128xf32, #tpu.memory_space<hbm>> -> memref<128x64xf32, #tpu.memory_space<hbm>>
      %dma_wait3A_263 = arith.constant 0 : i32
      %dma_wait3A_264 = arith.constant 0 : i32
      %dma_wait3A_265 = tpu.memref_slice %arg6[%dma_wait3A_251, %dma_wait3A_263, %dma_wait3A_264] : memref<10x128x64xf32, #tpu.memory_space<vmem>> -> memref<1x128x64xf32, #tpu.memory_space<vmem>>
      %dma_wait3A_266 = tpu.memref_squeeze %dma_wait3A_265 : memref<1x128x64xf32, #tpu.memory_space<vmem>> -> memref<128x64xf32, #tpu.memory_space<vmem>>
      tpu.wait_dma2 semaphore(%dma_wait3A_260 : memref<!tpu.dma_semaphore, #tpu.memory_space<semaphore_mem>>) src(%dma_wait3A_266 : memref<128x64xf32, #tpu.memory_space<vmem>>) dst(%dma_wait3A_262 : memref<128x64xf32, #tpu.memory_space<hbm>>)
      %add3A_267 = arith.constant 10 : i32
      %add3A_268 = arith.addi %add3A_217, %add3A_267 : i32
      %lt3A_269 = arith.constant 200 : i32
      %lt3A_270 = arith.cmpi slt, %add3A_268, %lt3A_269 : i32
      %convert_element_type3A_271 = arith.extui %lt3A_270 : i1 to i32
      %cond3A_272 = arith.constant 0 : i32
      %cond3A_273 = arith.cmpi ne, %convert_element_type3A_271, %cond3A_272 : i32
      scf.if %cond3A_273 {
        %add3A_754 = arith.constant 10 : i32
        %add3A_755 = arith.addi %add3A_217, %add3A_754 : i32
        %dma_start3A_756 = arith.constant 1 : i32
        %dma_start3A_757 = arith.constant 1 : i32
        %dma_start3A_758 = arith.constant 0 : i32
        %dma_start3A_759 = arith.constant 0 : i32
        %dma_start3A_760 = tpu.memref_slice %arg6[%dma_start3A_756, %dma_start3A_758, %dma_start3A_759] : memref<10x128x64xf32, #tpu.memory_space<vmem>> -> memref<1x128x64xf32, #tpu.memory_space<vmem>>
        %dma_start3A_761 = tpu.memref_squeeze %dma_start3A_760 : memref<1x128x64xf32, #tpu.memory_space<vmem>> -> memref<128x64xf32, #tpu.memory_space<vmem>>
        %dma_start3A_762 = arith.constant 0 : i32
        %dma_start3A_763 = tpu.memref_slice %arg5[%add3A_755, %dma_start3A_762] : memref<200x128xi32, #tpu.memory_space<vmem>> -> memref<1x128xi32, #tpu.memory_space<vmem>>
        %dma_start3A_764 = tpu.memref_squeeze %dma_start3A_763 : memref<1x128xi32, #tpu.memory_space<vmem>> -> memref<128xi32, #tpu.memory_space<vmem>>
        %dma_start3A_765 = arith.constant 0 : i32
        %dma_start3A_766 = arith.constant 0 : i32
        %dma_start3A_767 = tpu.memref_slice %arg3[%dma_start3A_765, %dma_start3A_766] : memref<1000002x64xf32, #tpu.memory_space<hbm>> -> memref<1000002x64xf32, #tpu.memory_space<hbm>>
        %dma_start3A_768 = tpu.memref_slice %arg7[%dma_start3A_757] : memref<10x!tpu.dma_semaphore, #tpu.memory_space<semaphore_mem>> -> memref<1x!tpu.dma_semaphore, #tpu.memory_space<semaphore_mem>>
        %dma_start3A_769 = tpu.memref_squeeze %dma_start3A_768 : memref<1x!tpu.dma_semaphore, #tpu.memory_space<semaphore_mem>> -> memref<!tpu.dma_semaphore, #tpu.memory_space<semaphore_mem>>
        tpu.enqueue_indirect_dma source(%dma_start3A_767 : memref<1000002x64xf32, #tpu.memory_space<hbm>>) target(%dma_start3A_761 : memref<128x64xf32, #tpu.memory_space<vmem>>) offsets(%dma_start3A_764 : memref<128xi32, #tpu.memory_space<vmem>>) semaphore(%dma_start3A_769 : memref<!tpu.dma_semaphore, #tpu.memory_space<semaphore_mem>>)
      } else {
      }
      %mul3A_274 = arith.constant 10 : i32
      %mul3A_275 = arith.muli %scan3A_157, %mul3A_274 : i32
      %add3A_276 = arith.constant 2 : i32
      %add3A_277 = arith.addi %mul3A_275, %add3A_276 : i32
      %dma_wait3A_278 = arith.constant 2 : i32
      %dma_wait3A_279 = arith.constant 2 : i32
      %dma_wait3A_280 = arith.constant 0 : i32
      %dma_wait3A_281 = arith.constant 0 : i32
      %dma_wait3A_282 = tpu.memref_slice %arg6[%dma_wait3A_278, %dma_wait3A_280, %dma_wait3A_281] : memref<10x128x64xf32, #tpu.memory_space<vmem>> -> memref<1x128x64xf32, #tpu.memory_space<vmem>>
      %dma_wait3A_283 = tpu.memref_squeeze %dma_wait3A_282 : memref<1x128x64xf32, #tpu.memory_space<vmem>> -> memref<128x64xf32, #tpu.memory_space<vmem>>
      %dma_wait3A_284 = arith.constant 0 : i32
      %dma_wait3A_285 = tpu.memref_slice %arg5[%add3A_277, %dma_wait3A_284] : memref<200x128xi32, #tpu.memory_space<vmem>> -> memref<1x128xi32, #tpu.memory_space<vmem>>
      %dma_wait3A_286 = tpu.memref_squeeze %dma_wait3A_285 : memref<1x128xi32, #tpu.memory_space<vmem>> -> memref<128xi32, #tpu.memory_space<vmem>>
      %dma_wait3A_287 = arith.constant 0 : i32
      %dma_wait3A_288 = arith.constant 0 : i32
      %dma_wait3A_289 = tpu.memref_slice %arg3[%dma_wait3A_287, %dma_wait3A_288] : memref<1000002x64xf32, #tpu.memory_space<hbm>> -> memref<1000002x64xf32, #tpu.memory_space<hbm>>
      %dma_wait3A_290 = tpu.memref_slice %arg7[%dma_wait3A_279] : memref<10x!tpu.dma_semaphore, #tpu.memory_space<semaphore_mem>> -> memref<1x!tpu.dma_semaphore, #tpu.memory_space<semaphore_mem>>
      %dma_wait3A_291 = tpu.memref_squeeze %dma_wait3A_290 : memref<1x!tpu.dma_semaphore, #tpu.memory_space<semaphore_mem>> -> memref<!tpu.dma_semaphore, #tpu.memory_space<semaphore_mem>>
      tpu.wait_indirect_dma semaphore(%dma_wait3A_291 : memref<!tpu.dma_semaphore, #tpu.memory_space<semaphore_mem>>) src(%dma_wait3A_289 : memref<1000002x64xf32, #tpu.memory_space<hbm>>) dst(%dma_wait3A_283 : memref<128x64xf32, #tpu.memory_space<vmem>>)
      %mul3A_292 = arith.constant 128 : i32
      %mul3A_293 = arith.muli %add3A_277, %mul3A_292 : i32
      %add3A_294 = arith.addi %mul3A_2, %mul3A_293 : i32
      %dma_start3A_295 = arith.constant 2 : i32
      %dma_start3A_296 = arith.constant 2 : i32
      %dma_start3A_297 = arith.constant 0 : i32
      %dma_start3A_298 = arith.constant 0 : i32
      %dma_start3A_299 = tpu.memref_slice %arg6[%dma_start3A_295, %dma_start3A_297, %dma_start3A_298] : memref<10x128x64xf32, #tpu.memory_space<vmem>> -> memref<1x128x64xf32, #tpu.memory_space<vmem>>
      %dma_start3A_300 = tpu.memref_squeeze %dma_start3A_299 : memref<1x128x64xf32, #tpu.memory_space<vmem>> -> memref<128x64xf32, #tpu.memory_space<vmem>>
      %dma_start3A_301 = arith.constant 0 : i32
      %dma_start3A_302 = tpu.memref_slice %arg4[%add3A_294, %dma_start3A_301] : memref<819200x128xf32, #tpu.memory_space<hbm>> -> memref<128x64xf32, #tpu.memory_space<hbm>>
      %dma_start3A_303 = tpu.memref_slice %arg8[%dma_start3A_296] : memref<10x!tpu.dma_semaphore, #tpu.memory_space<semaphore_mem>> -> memref<1x!tpu.dma_semaphore, #tpu.memory_space<semaphore_mem>>
      %dma_start3A_304 = tpu.memref_squeeze %dma_start3A_303 : memref<1x!tpu.dma_semaphore, #tpu.memory_space<semaphore_mem>> -> memref<!tpu.dma_semaphore, #tpu.memory_space<semaphore_mem>>
      %dma_start3A_305 = arith.constant 0 : i32
      %dma_start3A_306 = tpu.memref_slice %arg4[%add3A_294, %dma_start3A_305] : memref<819200x128xf32, #tpu.memory_space<hbm>> -> memref<128x64xf32, #tpu.memory_space<hbm>>
      %dma_start3A_307 = arith.constant 0 : i32
      %dma_start3A_308 = arith.constant 0 : i32
      %dma_start3A_309 = tpu.memref_slice %arg6[%dma_start3A_295, %dma_start3A_307, %dma_start3A_308] : memref<10x128x64xf32, #tpu.memory_space<vmem>> -> memref<1x128x64xf32, #tpu.memory_space<vmem>>
      %dma_start3A_310 = tpu.memref_squeeze %dma_start3A_309 : memref<1x128x64xf32, #tpu.memory_space<vmem>> -> memref<128x64xf32, #tpu.memory_space<vmem>>
      tpu.enqueue_dma source(%dma_start3A_310 : memref<128x64xf32, #tpu.memory_space<vmem>>) target(%dma_start3A_306 : memref<128x64xf32, #tpu.memory_space<hbm>>) target_semaphore(%dma_start3A_304 : memref<!tpu.dma_semaphore, #tpu.memory_space<semaphore_mem>>)
      %dma_wait3A_311 = arith.constant 2 : i32
      %dma_wait3A_312 = arith.constant 2 : i32
      %dma_wait3A_313 = arith.constant 0 : i32
      %dma_wait3A_314 = arith.constant 0 : i32
      %dma_wait3A_315 = tpu.memref_slice %arg6[%dma_wait3A_311, %dma_wait3A_313, %dma_wait3A_314] : memref<10x128x64xf32, #tpu.memory_space<vmem>> -> memref<1x128x64xf32, #tpu.memory_space<vmem>>
      %dma_wait3A_316 = tpu.memref_squeeze %dma_wait3A_315 : memref<1x128x64xf32, #tpu.memory_space<vmem>> -> memref<128x64xf32, #tpu.memory_space<vmem>>
      %dma_wait3A_317 = arith.constant 0 : i32
      %dma_wait3A_318 = tpu.memref_slice %arg4[%add3A_294, %dma_wait3A_317] : memref<819200x128xf32, #tpu.memory_space<hbm>> -> memref<128x64xf32, #tpu.memory_space<hbm>>
      %dma_wait3A_319 = tpu.memref_slice %arg8[%dma_wait3A_312] : memref<10x!tpu.dma_semaphore, #tpu.memory_space<semaphore_mem>> -> memref<1x!tpu.dma_semaphore, #tpu.memory_space<semaphore_mem>>
      %dma_wait3A_320 = tpu.memref_squeeze %dma_wait3A_319 : memref<1x!tpu.dma_semaphore, #tpu.memory_space<semaphore_mem>> -> memref<!tpu.dma_semaphore, #tpu.memory_space<semaphore_mem>>
      %dma_wait3A_321 = arith.constant 0 : i32
      %dma_wait3A_322 = tpu.memref_slice %arg4[%add3A_294, %dma_wait3A_321] : memref<819200x128xf32, #tpu.memory_space<hbm>> -> memref<128x64xf32, #tpu.memory_space<hbm>>
      %dma_wait3A_323 = arith.constant 0 : i32
      %dma_wait3A_324 = arith.constant 0 : i32
      %dma_wait3A_325 = tpu.memref_slice %arg6[%dma_wait3A_311, %dma_wait3A_323, %dma_wait3A_324] : memref<10x128x64xf32, #tpu.memory_space<vmem>> -> memref<1x128x64xf32, #tpu.memory_space<vmem>>
      %dma_wait3A_326 = tpu.memref_squeeze %dma_wait3A_325 : memref<1x128x64xf32, #tpu.memory_space<vmem>> -> memref<128x64xf32, #tpu.memory_space<vmem>>
      tpu.wait_dma2 semaphore(%dma_wait3A_320 : memref<!tpu.dma_semaphore, #tpu.memory_space<semaphore_mem>>) src(%dma_wait3A_326 : memref<128x64xf32, #tpu.memory_space<vmem>>) dst(%dma_wait3A_322 : memref<128x64xf32, #tpu.memory_space<hbm>>)
      %add3A_327 = arith.constant 10 : i32
      %add3A_328 = arith.addi %add3A_277, %add3A_327 : i32
      %lt3A_329 = arith.constant 200 : i32
      %lt3A_330 = arith.cmpi slt, %add3A_328, %lt3A_329 : i32
      %convert_element_type3A_331 = arith.extui %lt3A_330 : i1 to i32
      %cond3A_332 = arith.constant 0 : i32
      %cond3A_333 = arith.cmpi ne, %convert_element_type3A_331, %cond3A_332 : i32
      scf.if %cond3A_333 {
        %add3A_754 = arith.constant 10 : i32
        %add3A_755 = arith.addi %add3A_277, %add3A_754 : i32
        %dma_start3A_756 = arith.constant 2 : i32
        %dma_start3A_757 = arith.constant 2 : i32
        %dma_start3A_758 = arith.constant 0 : i32
        %dma_start3A_759 = arith.constant 0 : i32
        %dma_start3A_760 = tpu.memref_slice %arg6[%dma_start3A_756, %dma_start3A_758, %dma_start3A_759] : memref<10x128x64xf32, #tpu.memory_space<vmem>> -> memref<1x128x64xf32, #tpu.memory_space<vmem>>
        %dma_start3A_761 = tpu.memref_squeeze %dma_start3A_760 : memref<1x128x64xf32, #tpu.memory_space<vmem>> -> memref<128x64xf32, #tpu.memory_space<vmem>>
        %dma_start3A_762 = arith.constant 0 : i32
        %dma_start3A_763 = tpu.memref_slice %arg5[%add3A_755, %dma_start3A_762] : memref<200x128xi32, #tpu.memory_space<vmem>> -> memref<1x128xi32, #tpu.memory_space<vmem>>
        %dma_start3A_764 = tpu.memref_squeeze %dma_start3A_763 : memref<1x128xi32, #tpu.memory_space<vmem>> -> memref<128xi32, #tpu.memory_space<vmem>>
        %dma_start3A_765 = arith.constant 0 : i32
        %dma_start3A_766 = arith.constant 0 : i32
        %dma_start3A_767 = tpu.memref_slice %arg3[%dma_start3A_765, %dma_start3A_766] : memref<1000002x64xf32, #tpu.memory_space<hbm>> -> memref<1000002x64xf32, #tpu.memory_space<hbm>>
        %dma_start3A_768 = tpu.memref_slice %arg7[%dma_start3A_757] : memref<10x!tpu.dma_semaphore, #tpu.memory_space<semaphore_mem>> -> memref<1x!tpu.dma_semaphore, #tpu.memory_space<semaphore_mem>>
        %dma_start3A_769 = tpu.memref_squeeze %dma_start3A_768 : memref<1x!tpu.dma_semaphore, #tpu.memory_space<semaphore_mem>> -> memref<!tpu.dma_semaphore, #tpu.memory_space<semaphore_mem>>
        tpu.enqueue_indirect_dma source(%dma_start3A_767 : memref<1000002x64xf32, #tpu.memory_space<hbm>>) target(%dma_start3A_761 : memref<128x64xf32, #tpu.memory_space<vmem>>) offsets(%dma_start3A_764 : memref<128xi32, #tpu.memory_space<vmem>>) semaphore(%dma_start3A_769 : memref<!tpu.dma_semaphore, #tpu.memory_space<semaphore_mem>>)
      } else {
      }
      %mul3A_334 = arith.constant 10 : i32
      %mul3A_335 = arith.muli %scan3A_157, %mul3A_334 : i32
      %add3A_336 = arith.constant 3 : i32
      %add3A_337 = arith.addi %mul3A_335, %add3A_336 : i32
      %dma_wait3A_338 = arith.constant 3 : i32
      %dma_wait3A_339 = arith.constant 3 : i32
      %dma_wait3A_340 = arith.constant 0 : i32
      %dma_wait3A_341 = arith.constant 0 : i32
      %dma_wait3A_342 = tpu.memref_slice %arg6[%dma_wait3A_338, %dma_wait3A_340, %dma_wait3A_341] : memref<10x128x64xf32, #tpu.memory_space<vmem>> -> memref<1x128x64xf32, #tpu.memory_space<vmem>>
      %dma_wait3A_343 = tpu.memref_squeeze %dma_wait3A_342 : memref<1x128x64xf32, #tpu.memory_space<vmem>> -> memref<128x64xf32, #tpu.memory_space<vmem>>
      %dma_wait3A_344 = arith.constant 0 : i32
      %dma_wait3A_345 = tpu.memref_slice %arg5[%add3A_337, %dma_wait3A_344] : memref<200x128xi32, #tpu.memory_space<vmem>> -> memref<1x128xi32, #tpu.memory_space<vmem>>
      %dma_wait3A_346 = tpu.memref_squeeze %dma_wait3A_345 : memref<1x128xi32, #tpu.memory_space<vmem>> -> memref<128xi32, #tpu.memory_space<vmem>>
      %dma_wait3A_347 = arith.constant 0 : i32
      %dma_wait3A_348 = arith.constant 0 : i32
      %dma_wait3A_349 = tpu.memref_slice %arg3[%dma_wait3A_347, %dma_wait3A_348] : memref<1000002x64xf32, #tpu.memory_space<hbm>> -> memref<1000002x64xf32, #tpu.memory_space<hbm>>
      %dma_wait3A_350 = tpu.memref_slice %arg7[%dma_wait3A_339] : memref<10x!tpu.dma_semaphore, #tpu.memory_space<semaphore_mem>> -> memref<1x!tpu.dma_semaphore, #tpu.memory_space<semaphore_mem>>
      %dma_wait3A_351 = tpu.memref_squeeze %dma_wait3A_350 : memref<1x!tpu.dma_semaphore, #tpu.memory_space<semaphore_mem>> -> memref<!tpu.dma_semaphore, #tpu.memory_space<semaphore_mem>>
      tpu.wait_indirect_dma semaphore(%dma_wait3A_351 : memref<!tpu.dma_semaphore, #tpu.memory_space<semaphore_mem>>) src(%dma_wait3A_349 : memref<1000002x64xf32, #tpu.memory_space<hbm>>) dst(%dma_wait3A_343 : memref<128x64xf32, #tpu.memory_space<vmem>>)
      %mul3A_352 = arith.constant 128 : i32
      %mul3A_353 = arith.muli %add3A_337, %mul3A_352 : i32
      %add3A_354 = arith.addi %mul3A_2, %mul3A_353 : i32
      %dma_start3A_355 = arith.constant 3 : i32
      %dma_start3A_356 = arith.constant 3 : i32
      %dma_start3A_357 = arith.constant 0 : i32
      %dma_start3A_358 = arith.constant 0 : i32
      %dma_start3A_359 = tpu.memref_slice %arg6[%dma_start3A_355, %dma_start3A_357, %dma_start3A_358] : memref<10x128x64xf32, #tpu.memory_space<vmem>> -> memref<1x128x64xf32, #tpu.memory_space<vmem>>
      %dma_start3A_360 = tpu.memref_squeeze %dma_start3A_359 : memref<1x128x64xf32, #tpu.memory_space<vmem>> -> memref<128x64xf32, #tpu.memory_space<vmem>>
      %dma_start3A_361 = arith.constant 0 : i32
      %dma_start3A_362 = tpu.memref_slice %arg4[%add3A_354, %dma_start3A_361] : memref<819200x128xf32, #tpu.memory_space<hbm>> -> memref<128x64xf32, #tpu.memory_space<hbm>>
      %dma_start3A_363 = tpu.memref_slice %arg8[%dma_start3A_356] : memref<10x!tpu.dma_semaphore, #tpu.memory_space<semaphore_mem>> -> memref<1x!tpu.dma_semaphore, #tpu.memory_space<semaphore_mem>>
      %dma_start3A_364 = tpu.memref_squeeze %dma_start3A_363 : memref<1x!tpu.dma_semaphore, #tpu.memory_space<semaphore_mem>> -> memref<!tpu.dma_semaphore, #tpu.memory_space<semaphore_mem>>
      %dma_start3A_365 = arith.constant 0 : i32
      %dma_start3A_366 = tpu.memref_slice %arg4[%add3A_354, %dma_start3A_365] : memref<819200x128xf32, #tpu.memory_space<hbm>> -> memref<128x64xf32, #tpu.memory_space<hbm>>
      %dma_start3A_367 = arith.constant 0 : i32
      %dma_start3A_368 = arith.constant 0 : i32
      %dma_start3A_369 = tpu.memref_slice %arg6[%dma_start3A_355, %dma_start3A_367, %dma_start3A_368] : memref<10x128x64xf32, #tpu.memory_space<vmem>> -> memref<1x128x64xf32, #tpu.memory_space<vmem>>
      %dma_start3A_370 = tpu.memref_squeeze %dma_start3A_369 : memref<1x128x64xf32, #tpu.memory_space<vmem>> -> memref<128x64xf32, #tpu.memory_space<vmem>>
      tpu.enqueue_dma source(%dma_start3A_370 : memref<128x64xf32, #tpu.memory_space<vmem>>) target(%dma_start3A_366 : memref<128x64xf32, #tpu.memory_space<hbm>>) target_semaphore(%dma_start3A_364 : memref<!tpu.dma_semaphore, #tpu.memory_space<semaphore_mem>>)
      %dma_wait3A_371 = arith.constant 3 : i32
      %dma_wait3A_372 = arith.constant 3 : i32
      %dma_wait3A_373 = arith.constant 0 : i32
      %dma_wait3A_374 = arith.constant 0 : i32
      %dma_wait3A_375 = tpu.memref_slice %arg6[%dma_wait3A_371, %dma_wait3A_373, %dma_wait3A_374] : memref<10x128x64xf32, #tpu.memory_space<vmem>> -> memref<1x128x64xf32, #tpu.memory_space<vmem>>
      %dma_wait3A_376 = tpu.memref_squeeze %dma_wait3A_375 : memref<1x128x64xf32, #tpu.memory_space<vmem>> -> memref<128x64xf32, #tpu.memory_space<vmem>>
      %dma_wait3A_377 = arith.constant 0 : i32
      %dma_wait3A_378 = tpu.memref_slice %arg4[%add3A_354, %dma_wait3A_377] : memref<819200x128xf32, #tpu.memory_space<hbm>> -> memref<128x64xf32, #tpu.memory_space<hbm>>
      %dma_wait3A_379 = tpu.memref_slice %arg8[%dma_wait3A_372] : memref<10x!tpu.dma_semaphore, #tpu.memory_space<semaphore_mem>> -> memref<1x!tpu.dma_semaphore, #tpu.memory_space<semaphore_mem>>
      %dma_wait3A_380 = tpu.memref_squeeze %dma_wait3A_379 : memref<1x!tpu.dma_semaphore, #tpu.memory_space<semaphore_mem>> -> memref<!tpu.dma_semaphore, #tpu.memory_space<semaphore_mem>>
      %dma_wait3A_381 = arith.constant 0 : i32
      %dma_wait3A_382 = tpu.memref_slice %arg4[%add3A_354, %dma_wait3A_381] : memref<819200x128xf32, #tpu.memory_space<hbm>> -> memref<128x64xf32, #tpu.memory_space<hbm>>
      %dma_wait3A_383 = arith.constant 0 : i32
      %dma_wait3A_384 = arith.constant 0 : i32
      %dma_wait3A_385 = tpu.memref_slice %arg6[%dma_wait3A_371, %dma_wait3A_383, %dma_wait3A_384] : memref<10x128x64xf32, #tpu.memory_space<vmem>> -> memref<1x128x64xf32, #tpu.memory_space<vmem>>
      %dma_wait3A_386 = tpu.memref_squeeze %dma_wait3A_385 : memref<1x128x64xf32, #tpu.memory_space<vmem>> -> memref<128x64xf32, #tpu.memory_space<vmem>>
      tpu.wait_dma2 semaphore(%dma_wait3A_380 : memref<!tpu.dma_semaphore, #tpu.memory_space<semaphore_mem>>) src(%dma_wait3A_386 : memref<128x64xf32, #tpu.memory_space<vmem>>) dst(%dma_wait3A_382 : memref<128x64xf32, #tpu.memory_space<hbm>>)
      %add3A_387 = arith.constant 10 : i32
      %add3A_388 = arith.addi %add3A_337, %add3A_387 : i32
      %lt3A_389 = arith.constant 200 : i32
      %lt3A_390 = arith.cmpi slt, %add3A_388, %lt3A_389 : i32
      %convert_element_type3A_391 = arith.extui %lt3A_390 : i1 to i32
      %cond3A_392 = arith.constant 0 : i32
      %cond3A_393 = arith.cmpi ne, %convert_element_type3A_391, %cond3A_392 : i32
      scf.if %cond3A_393 {
        %add3A_754 = arith.constant 10 : i32
        %add3A_755 = arith.addi %add3A_337, %add3A_754 : i32
        %dma_start3A_756 = arith.constant 3 : i32
        %dma_start3A_757 = arith.constant 3 : i32
        %dma_start3A_758 = arith.constant 0 : i32
        %dma_start3A_759 = arith.constant 0 : i32
        %dma_start3A_760 = tpu.memref_slice %arg6[%dma_start3A_756, %dma_start3A_758, %dma_start3A_759] : memref<10x128x64xf32, #tpu.memory_space<vmem>> -> memref<1x128x64xf32, #tpu.memory_space<vmem>>
        %dma_start3A_761 = tpu.memref_squeeze %dma_start3A_760 : memref<1x128x64xf32, #tpu.memory_space<vmem>> -> memref<128x64xf32, #tpu.memory_space<vmem>>
        %dma_start3A_762 = arith.constant 0 : i32
        %dma_start3A_763 = tpu.memref_slice %arg5[%add3A_755, %dma_start3A_762] : memref<200x128xi32, #tpu.memory_space<vmem>> -> memref<1x128xi32, #tpu.memory_space<vmem>>
        %dma_start3A_764 = tpu.memref_squeeze %dma_start3A_763 : memref<1x128xi32, #tpu.memory_space<vmem>> -> memref<128xi32, #tpu.memory_space<vmem>>
        %dma_start3A_765 = arith.constant 0 : i32
        %dma_start3A_766 = arith.constant 0 : i32
        %dma_start3A_767 = tpu.memref_slice %arg3[%dma_start3A_765, %dma_start3A_766] : memref<1000002x64xf32, #tpu.memory_space<hbm>> -> memref<1000002x64xf32, #tpu.memory_space<hbm>>
        %dma_start3A_768 = tpu.memref_slice %arg7[%dma_start3A_757] : memref<10x!tpu.dma_semaphore, #tpu.memory_space<semaphore_mem>> -> memref<1x!tpu.dma_semaphore, #tpu.memory_space<semaphore_mem>>
        %dma_start3A_769 = tpu.memref_squeeze %dma_start3A_768 : memref<1x!tpu.dma_semaphore, #tpu.memory_space<semaphore_mem>> -> memref<!tpu.dma_semaphore, #tpu.memory_space<semaphore_mem>>
        tpu.enqueue_indirect_dma source(%dma_start3A_767 : memref<1000002x64xf32, #tpu.memory_space<hbm>>) target(%dma_start3A_761 : memref<128x64xf32, #tpu.memory_space<vmem>>) offsets(%dma_start3A_764 : memref<128xi32, #tpu.memory_space<vmem>>) semaphore(%dma_start3A_769 : memref<!tpu.dma_semaphore, #tpu.memory_space<semaphore_mem>>)
      } else {
      }
      %mul3A_394 = arith.constant 10 : i32
      %mul3A_395 = arith.muli %scan3A_157, %mul3A_394 : i32
      %add3A_396 = arith.constant 4 : i32
      %add3A_397 = arith.addi %mul3A_395, %add3A_396 : i32
      %dma_wait3A_398 = arith.constant 4 : i32
      %dma_wait3A_399 = arith.constant 4 : i32
      %dma_wait3A_400 = arith.constant 0 : i32
      %dma_wait3A_401 = arith.constant 0 : i32
      %dma_wait3A_402 = tpu.memref_slice %arg6[%dma_wait3A_398, %dma_wait3A_400, %dma_wait3A_401] : memref<10x128x64xf32, #tpu.memory_space<vmem>> -> memref<1x128x64xf32, #tpu.memory_space<vmem>>
      %dma_wait3A_403 = tpu.memref_squeeze %dma_wait3A_402 : memref<1x128x64xf32, #tpu.memory_space<vmem>> -> memref<128x64xf32, #tpu.memory_space<vmem>>
      %dma_wait3A_404 = arith.constant 0 : i32
      %dma_wait3A_405 = tpu.memref_slice %arg5[%add3A_397, %dma_wait3A_404] : memref<200x128xi32, #tpu.memory_space<vmem>> -> memref<1x128xi32, #tpu.memory_space<vmem>>
      %dma_wait3A_406 = tpu.memref_squeeze %dma_wait3A_405 : memref<1x128xi32, #tpu.memory_space<vmem>> -> memref<128xi32, #tpu.memory_space<vmem>>
      %dma_wait3A_407 = arith.constant 0 : i32
      %dma_wait3A_408 = arith.constant 0 : i32
      %dma_wait3A_409 = tpu.memref_slice %arg3[%dma_wait3A_407, %dma_wait3A_408] : memref<1000002x64xf32, #tpu.memory_space<hbm>> -> memref<1000002x64xf32, #tpu.memory_space<hbm>>
      %dma_wait3A_410 = tpu.memref_slice %arg7[%dma_wait3A_399] : memref<10x!tpu.dma_semaphore, #tpu.memory_space<semaphore_mem>> -> memref<1x!tpu.dma_semaphore, #tpu.memory_space<semaphore_mem>>
      %dma_wait3A_411 = tpu.memref_squeeze %dma_wait3A_410 : memref<1x!tpu.dma_semaphore, #tpu.memory_space<semaphore_mem>> -> memref<!tpu.dma_semaphore, #tpu.memory_space<semaphore_mem>>
      tpu.wait_indirect_dma semaphore(%dma_wait3A_411 : memref<!tpu.dma_semaphore, #tpu.memory_space<semaphore_mem>>) src(%dma_wait3A_409 : memref<1000002x64xf32, #tpu.memory_space<hbm>>) dst(%dma_wait3A_403 : memref<128x64xf32, #tpu.memory_space<vmem>>)
      %mul3A_412 = arith.constant 128 : i32
      %mul3A_413 = arith.muli %add3A_397, %mul3A_412 : i32
      %add3A_414 = arith.addi %mul3A_2, %mul3A_413 : i32
      %dma_start3A_415 = arith.constant 4 : i32
      %dma_start3A_416 = arith.constant 4 : i32
      %dma_start3A_417 = arith.constant 0 : i32
      %dma_start3A_418 = arith.constant 0 : i32
      %dma_start3A_419 = tpu.memref_slice %arg6[%dma_start3A_415, %dma_start3A_417, %dma_start3A_418] : memref<10x128x64xf32, #tpu.memory_space<vmem>> -> memref<1x128x64xf32, #tpu.memory_space<vmem>>
      %dma_start3A_420 = tpu.memref_squeeze %dma_start3A_419 : memref<1x128x64xf32, #tpu.memory_space<vmem>> -> memref<128x64xf32, #tpu.memory_space<vmem>>
      %dma_start3A_421 = arith.constant 0 : i32
      %dma_start3A_422 = tpu.memref_slice %arg4[%add3A_414, %dma_start3A_421] : memref<819200x128xf32, #tpu.memory_space<hbm>> -> memref<128x64xf32, #tpu.memory_space<hbm>>
      %dma_start3A_423 = tpu.memref_slice %arg8[%dma_start3A_416] : memref<10x!tpu.dma_semaphore, #tpu.memory_space<semaphore_mem>> -> memref<1x!tpu.dma_semaphore, #tpu.memory_space<semaphore_mem>>
      %dma_start3A_424 = tpu.memref_squeeze %dma_start3A_423 : memref<1x!tpu.dma_semaphore, #tpu.memory_space<semaphore_mem>> -> memref<!tpu.dma_semaphore, #tpu.memory_space<semaphore_mem>>
      %dma_start3A_425 = arith.constant 0 : i32
      %dma_start3A_426 = tpu.memref_slice %arg4[%add3A_414, %dma_start3A_425] : memref<819200x128xf32, #tpu.memory_space<hbm>> -> memref<128x64xf32, #tpu.memory_space<hbm>>
      %dma_start3A_427 = arith.constant 0 : i32
      %dma_start3A_428 = arith.constant 0 : i32
      %dma_start3A_429 = tpu.memref_slice %arg6[%dma_start3A_415, %dma_start3A_427, %dma_start3A_428] : memref<10x128x64xf32, #tpu.memory_space<vmem>> -> memref<1x128x64xf32, #tpu.memory_space<vmem>>
      %dma_start3A_430 = tpu.memref_squeeze %dma_start3A_429 : memref<1x128x64xf32, #tpu.memory_space<vmem>> -> memref<128x64xf32, #tpu.memory_space<vmem>>
      tpu.enqueue_dma source(%dma_start3A_430 : memref<128x64xf32, #tpu.memory_space<vmem>>) target(%dma_start3A_426 : memref<128x64xf32, #tpu.memory_space<hbm>>) target_semaphore(%dma_start3A_424 : memref<!tpu.dma_semaphore, #tpu.memory_space<semaphore_mem>>)
      %dma_wait3A_431 = arith.constant 4 : i32
      %dma_wait3A_432 = arith.constant 4 : i32
      %dma_wait3A_433 = arith.constant 0 : i32
      %dma_wait3A_434 = arith.constant 0 : i32
      %dma_wait3A_435 = tpu.memref_slice %arg6[%dma_wait3A_431, %dma_wait3A_433, %dma_wait3A_434] : memref<10x128x64xf32, #tpu.memory_space<vmem>> -> memref<1x128x64xf32, #tpu.memory_space<vmem>>
      %dma_wait3A_436 = tpu.memref_squeeze %dma_wait3A_435 : memref<1x128x64xf32, #tpu.memory_space<vmem>> -> memref<128x64xf32, #tpu.memory_space<vmem>>
      %dma_wait3A_437 = arith.constant 0 : i32
      %dma_wait3A_438 = tpu.memref_slice %arg4[%add3A_414, %dma_wait3A_437] : memref<819200x128xf32, #tpu.memory_space<hbm>> -> memref<128x64xf32, #tpu.memory_space<hbm>>
      %dma_wait3A_439 = tpu.memref_slice %arg8[%dma_wait3A_432] : memref<10x!tpu.dma_semaphore, #tpu.memory_space<semaphore_mem>> -> memref<1x!tpu.dma_semaphore, #tpu.memory_space<semaphore_mem>>
      %dma_wait3A_440 = tpu.memref_squeeze %dma_wait3A_439 : memref<1x!tpu.dma_semaphore, #tpu.memory_space<semaphore_mem>> -> memref<!tpu.dma_semaphore, #tpu.memory_space<semaphore_mem>>
      %dma_wait3A_441 = arith.constant 0 : i32
      %dma_wait3A_442 = tpu.memref_slice %arg4[%add3A_414, %dma_wait3A_441] : memref<819200x128xf32, #tpu.memory_space<hbm>> -> memref<128x64xf32, #tpu.memory_space<hbm>>
      %dma_wait3A_443 = arith.constant 0 : i32
      %dma_wait3A_444 = arith.constant 0 : i32
      %dma_wait3A_445 = tpu.memref_slice %arg6[%dma_wait3A_431, %dma_wait3A_443, %dma_wait3A_444] : memref<10x128x64xf32, #tpu.memory_space<vmem>> -> memref<1x128x64xf32, #tpu.memory_space<vmem>>
      %dma_wait3A_446 = tpu.memref_squeeze %dma_wait3A_445 : memref<1x128x64xf32, #tpu.memory_space<vmem>> -> memref<128x64xf32, #tpu.memory_space<vmem>>
      tpu.wait_dma2 semaphore(%dma_wait3A_440 : memref<!tpu.dma_semaphore, #tpu.memory_space<semaphore_mem>>) src(%dma_wait3A_446 : memref<128x64xf32, #tpu.memory_space<vmem>>) dst(%dma_wait3A_442 : memref<128x64xf32, #tpu.memory_space<hbm>>)
      %add3A_447 = arith.constant 10 : i32
      %add3A_448 = arith.addi %add3A_397, %add3A_447 : i32
      %lt3A_449 = arith.constant 200 : i32
      %lt3A_450 = arith.cmpi slt, %add3A_448, %lt3A_449 : i32
      %convert_element_type3A_451 = arith.extui %lt3A_450 : i1 to i32
      %cond3A_452 = arith.constant 0 : i32
      %cond3A_453 = arith.cmpi ne, %convert_element_type3A_451, %cond3A_452 : i32
      scf.if %cond3A_453 {
        %add3A_754 = arith.constant 10 : i32
        %add3A_755 = arith.addi %add3A_397, %add3A_754 : i32
        %dma_start3A_756 = arith.constant 4 : i32
        %dma_start3A_757 = arith.constant 4 : i32
        %dma_start3A_758 = arith.constant 0 : i32
        %dma_start3A_759 = arith.constant 0 : i32
        %dma_start3A_760 = tpu.memref_slice %arg6[%dma_start3A_756, %dma_start3A_758, %dma_start3A_759] : memref<10x128x64xf32, #tpu.memory_space<vmem>> -> memref<1x128x64xf32, #tpu.memory_space<vmem>>
        %dma_start3A_761 = tpu.memref_squeeze %dma_start3A_760 : memref<1x128x64xf32, #tpu.memory_space<vmem>> -> memref<128x64xf32, #tpu.memory_space<vmem>>
        %dma_start3A_762 = arith.constant 0 : i32
        %dma_start3A_763 = tpu.memref_slice %arg5[%add3A_755, %dma_start3A_762] : memref<200x128xi32, #tpu.memory_space<vmem>> -> memref<1x128xi32, #tpu.memory_space<vmem>>
        %dma_start3A_764 = tpu.memref_squeeze %dma_start3A_763 : memref<1x128xi32, #tpu.memory_space<vmem>> -> memref<128xi32, #tpu.memory_space<vmem>>
        %dma_start3A_765 = arith.constant 0 : i32
        %dma_start3A_766 = arith.constant 0 : i32
        %dma_start3A_767 = tpu.memref_slice %arg3[%dma_start3A_765, %dma_start3A_766] : memref<1000002x64xf32, #tpu.memory_space<hbm>> -> memref<1000002x64xf32, #tpu.memory_space<hbm>>
        %dma_start3A_768 = tpu.memref_slice %arg7[%dma_start3A_757] : memref<10x!tpu.dma_semaphore, #tpu.memory_space<semaphore_mem>> -> memref<1x!tpu.dma_semaphore, #tpu.memory_space<semaphore_mem>>
        %dma_start3A_769 = tpu.memref_squeeze %dma_start3A_768 : memref<1x!tpu.dma_semaphore, #tpu.memory_space<semaphore_mem>> -> memref<!tpu.dma_semaphore, #tpu.memory_space<semaphore_mem>>
        tpu.enqueue_indirect_dma source(%dma_start3A_767 : memref<1000002x64xf32, #tpu.memory_space<hbm>>) target(%dma_start3A_761 : memref<128x64xf32, #tpu.memory_space<vmem>>) offsets(%dma_start3A_764 : memref<128xi32, #tpu.memory_space<vmem>>) semaphore(%dma_start3A_769 : memref<!tpu.dma_semaphore, #tpu.memory_space<semaphore_mem>>)
      } else {
      }
      %mul3A_454 = arith.constant 10 : i32
      %mul3A_455 = arith.muli %scan3A_157, %mul3A_454 : i32
      %add3A_456 = arith.constant 5 : i32
      %add3A_457 = arith.addi %mul3A_455, %add3A_456 : i32
      %dma_wait3A_458 = arith.constant 5 : i32
      %dma_wait3A_459 = arith.constant 5 : i32
      %dma_wait3A_460 = arith.constant 0 : i32
      %dma_wait3A_461 = arith.constant 0 : i32
      %dma_wait3A_462 = tpu.memref_slice %arg6[%dma_wait3A_458, %dma_wait3A_460, %dma_wait3A_461] : memref<10x128x64xf32, #tpu.memory_space<vmem>> -> memref<1x128x64xf32, #tpu.memory_space<vmem>>
      %dma_wait3A_463 = tpu.memref_squeeze %dma_wait3A_462 : memref<1x128x64xf32, #tpu.memory_space<vmem>> -> memref<128x64xf32, #tpu.memory_space<vmem>>
      %dma_wait3A_464 = arith.constant 0 : i32
      %dma_wait3A_465 = tpu.memref_slice %arg5[%add3A_457, %dma_wait3A_464] : memref<200x128xi32, #tpu.memory_space<vmem>> -> memref<1x128xi32, #tpu.memory_space<vmem>>
      %dma_wait3A_466 = tpu.memref_squeeze %dma_wait3A_465 : memref<1x128xi32, #tpu.memory_space<vmem>> -> memref<128xi32, #tpu.memory_space<vmem>>
      %dma_wait3A_467 = arith.constant 0 : i32
      %dma_wait3A_468 = arith.constant 0 : i32
      %dma_wait3A_469 = tpu.memref_slice %arg3[%dma_wait3A_467, %dma_wait3A_468] : memref<1000002x64xf32, #tpu.memory_space<hbm>> -> memref<1000002x64xf32, #tpu.memory_space<hbm>>
      %dma_wait3A_470 = tpu.memref_slice %arg7[%dma_wait3A_459] : memref<10x!tpu.dma_semaphore, #tpu.memory_space<semaphore_mem>> -> memref<1x!tpu.dma_semaphore, #tpu.memory_space<semaphore_mem>>
      %dma_wait3A_471 = tpu.memref_squeeze %dma_wait3A_470 : memref<1x!tpu.dma_semaphore, #tpu.memory_space<semaphore_mem>> -> memref<!tpu.dma_semaphore, #tpu.memory_space<semaphore_mem>>
      tpu.wait_indirect_dma semaphore(%dma_wait3A_471 : memref<!tpu.dma_semaphore, #tpu.memory_space<semaphore_mem>>) src(%dma_wait3A_469 : memref<1000002x64xf32, #tpu.memory_space<hbm>>) dst(%dma_wait3A_463 : memref<128x64xf32, #tpu.memory_space<vmem>>)
      %mul3A_472 = arith.constant 128 : i32
      %mul3A_473 = arith.muli %add3A_457, %mul3A_472 : i32
      %add3A_474 = arith.addi %mul3A_2, %mul3A_473 : i32
      %dma_start3A_475 = arith.constant 5 : i32
      %dma_start3A_476 = arith.constant 5 : i32
      %dma_start3A_477 = arith.constant 0 : i32
      %dma_start3A_478 = arith.constant 0 : i32
      %dma_start3A_479 = tpu.memref_slice %arg6[%dma_start3A_475, %dma_start3A_477, %dma_start3A_478] : memref<10x128x64xf32, #tpu.memory_space<vmem>> -> memref<1x128x64xf32, #tpu.memory_space<vmem>>
      %dma_start3A_480 = tpu.memref_squeeze %dma_start3A_479 : memref<1x128x64xf32, #tpu.memory_space<vmem>> -> memref<128x64xf32, #tpu.memory_space<vmem>>
      %dma_start3A_481 = arith.constant 0 : i32
      %dma_start3A_482 = tpu.memref_slice %arg4[%add3A_474, %dma_start3A_481] : memref<819200x128xf32, #tpu.memory_space<hbm>> -> memref<128x64xf32, #tpu.memory_space<hbm>>
      %dma_start3A_483 = tpu.memref_slice %arg8[%dma_start3A_476] : memref<10x!tpu.dma_semaphore, #tpu.memory_space<semaphore_mem>> -> memref<1x!tpu.dma_semaphore, #tpu.memory_space<semaphore_mem>>
      %dma_start3A_484 = tpu.memref_squeeze %dma_start3A_483 : memref<1x!tpu.dma_semaphore, #tpu.memory_space<semaphore_mem>> -> memref<!tpu.dma_semaphore, #tpu.memory_space<semaphore_mem>>
      %dma_start3A_485 = arith.constant 0 : i32
      %dma_start3A_486 = tpu.memref_slice %arg4[%add3A_474, %dma_start3A_485] : memref<819200x128xf32, #tpu.memory_space<hbm>> -> memref<128x64xf32, #tpu.memory_space<hbm>>
      %dma_start3A_487 = arith.constant 0 : i32
      %dma_start3A_488 = arith.constant 0 : i32
      %dma_start3A_489 = tpu.memref_slice %arg6[%dma_start3A_475, %dma_start3A_487, %dma_start3A_488] : memref<10x128x64xf32, #tpu.memory_space<vmem>> -> memref<1x128x64xf32, #tpu.memory_space<vmem>>
      %dma_start3A_490 = tpu.memref_squeeze %dma_start3A_489 : memref<1x128x64xf32, #tpu.memory_space<vmem>> -> memref<128x64xf32, #tpu.memory_space<vmem>>
      tpu.enqueue_dma source(%dma_start3A_490 : memref<128x64xf32, #tpu.memory_space<vmem>>) target(%dma_start3A_486 : memref<128x64xf32, #tpu.memory_space<hbm>>) target_semaphore(%dma_start3A_484 : memref<!tpu.dma_semaphore, #tpu.memory_space<semaphore_mem>>)
      %dma_wait3A_491 = arith.constant 5 : i32
      %dma_wait3A_492 = arith.constant 5 : i32
      %dma_wait3A_493 = arith.constant 0 : i32
      %dma_wait3A_494 = arith.constant 0 : i32
      %dma_wait3A_495 = tpu.memref_slice %arg6[%dma_wait3A_491, %dma_wait3A_493, %dma_wait3A_494] : memref<10x128x64xf32, #tpu.memory_space<vmem>> -> memref<1x128x64xf32, #tpu.memory_space<vmem>>
      %dma_wait3A_496 = tpu.memref_squeeze %dma_wait3A_495 : memref<1x128x64xf32, #tpu.memory_space<vmem>> -> memref<128x64xf32, #tpu.memory_space<vmem>>
      %dma_wait3A_497 = arith.constant 0 : i32
      %dma_wait3A_498 = tpu.memref_slice %arg4[%add3A_474, %dma_wait3A_497] : memref<819200x128xf32, #tpu.memory_space<hbm>> -> memref<128x64xf32, #tpu.memory_space<hbm>>
      %dma_wait3A_499 = tpu.memref_slice %arg8[%dma_wait3A_492] : memref<10x!tpu.dma_semaphore, #tpu.memory_space<semaphore_mem>> -> memref<1x!tpu.dma_semaphore, #tpu.memory_space<semaphore_mem>>
      %dma_wait3A_500 = tpu.memref_squeeze %dma_wait3A_499 : memref<1x!tpu.dma_semaphore, #tpu.memory_space<semaphore_mem>> -> memref<!tpu.dma_semaphore, #tpu.memory_space<semaphore_mem>>
      %dma_wait3A_501 = arith.constant 0 : i32
      %dma_wait3A_502 = tpu.memref_slice %arg4[%add3A_474, %dma_wait3A_501] : memref<819200x128xf32, #tpu.memory_space<hbm>> -> memref<128x64xf32, #tpu.memory_space<hbm>>
      %dma_wait3A_503 = arith.constant 0 : i32
      %dma_wait3A_504 = arith.constant 0 : i32
      %dma_wait3A_505 = tpu.memref_slice %arg6[%dma_wait3A_491, %dma_wait3A_503, %dma_wait3A_504] : memref<10x128x64xf32, #tpu.memory_space<vmem>> -> memref<1x128x64xf32, #tpu.memory_space<vmem>>
      %dma_wait3A_506 = tpu.memref_squeeze %dma_wait3A_505 : memref<1x128x64xf32, #tpu.memory_space<vmem>> -> memref<128x64xf32, #tpu.memory_space<vmem>>
      tpu.wait_dma2 semaphore(%dma_wait3A_500 : memref<!tpu.dma_semaphore, #tpu.memory_space<semaphore_mem>>) src(%dma_wait3A_506 : memref<128x64xf32, #tpu.memory_space<vmem>>) dst(%dma_wait3A_502 : memref<128x64xf32, #tpu.memory_space<hbm>>)
      %add3A_507 = arith.constant 10 : i32
      %add3A_508 = arith.addi %add3A_457, %add3A_507 : i32
      %lt3A_509 = arith.constant 200 : i32
      %lt3A_510 = arith.cmpi slt, %add3A_508, %lt3A_509 : i32
      %convert_element_type3A_511 = arith.extui %lt3A_510 : i1 to i32
      %cond3A_512 = arith.constant 0 : i32
      %cond3A_513 = arith.cmpi ne, %convert_element_type3A_511, %cond3A_512 : i32
      scf.if %cond3A_513 {
        %add3A_754 = arith.constant 10 : i32
        %add3A_755 = arith.addi %add3A_457, %add3A_754 : i32
        %dma_start3A_756 = arith.constant 5 : i32
        %dma_start3A_757 = arith.constant 5 : i32
        %dma_start3A_758 = arith.constant 0 : i32
        %dma_start3A_759 = arith.constant 0 : i32
        %dma_start3A_760 = tpu.memref_slice %arg6[%dma_start3A_756, %dma_start3A_758, %dma_start3A_759] : memref<10x128x64xf32, #tpu.memory_space<vmem>> -> memref<1x128x64xf32, #tpu.memory_space<vmem>>
        %dma_start3A_761 = tpu.memref_squeeze %dma_start3A_760 : memref<1x128x64xf32, #tpu.memory_space<vmem>> -> memref<128x64xf32, #tpu.memory_space<vmem>>
        %dma_start3A_762 = arith.constant 0 : i32
        %dma_start3A_763 = tpu.memref_slice %arg5[%add3A_755, %dma_start3A_762] : memref<200x128xi32, #tpu.memory_space<vmem>> -> memref<1x128xi32, #tpu.memory_space<vmem>>
        %dma_start3A_764 = tpu.memref_squeeze %dma_start3A_763 : memref<1x128xi32, #tpu.memory_space<vmem>> -> memref<128xi32, #tpu.memory_space<vmem>>
        %dma_start3A_765 = arith.constant 0 : i32
        %dma_start3A_766 = arith.constant 0 : i32
        %dma_start3A_767 = tpu.memref_slice %arg3[%dma_start3A_765, %dma_start3A_766] : memref<1000002x64xf32, #tpu.memory_space<hbm>> -> memref<1000002x64xf32, #tpu.memory_space<hbm>>
        %dma_start3A_768 = tpu.memref_slice %arg7[%dma_start3A_757] : memref<10x!tpu.dma_semaphore, #tpu.memory_space<semaphore_mem>> -> memref<1x!tpu.dma_semaphore, #tpu.memory_space<semaphore_mem>>
        %dma_start3A_769 = tpu.memref_squeeze %dma_start3A_768 : memref<1x!tpu.dma_semaphore, #tpu.memory_space<semaphore_mem>> -> memref<!tpu.dma_semaphore, #tpu.memory_space<semaphore_mem>>
        tpu.enqueue_indirect_dma source(%dma_start3A_767 : memref<1000002x64xf32, #tpu.memory_space<hbm>>) target(%dma_start3A_761 : memref<128x64xf32, #tpu.memory_space<vmem>>) offsets(%dma_start3A_764 : memref<128xi32, #tpu.memory_space<vmem>>) semaphore(%dma_start3A_769 : memref<!tpu.dma_semaphore, #tpu.memory_space<semaphore_mem>>)
      } else {
      }
      %mul3A_514 = arith.constant 10 : i32
      %mul3A_515 = arith.muli %scan3A_157, %mul3A_514 : i32
      %add3A_516 = arith.constant 6 : i32
      %add3A_517 = arith.addi %mul3A_515, %add3A_516 : i32
      %dma_wait3A_518 = arith.constant 6 : i32
      %dma_wait3A_519 = arith.constant 6 : i32
      %dma_wait3A_520 = arith.constant 0 : i32
      %dma_wait3A_521 = arith.constant 0 : i32
      %dma_wait3A_522 = tpu.memref_slice %arg6[%dma_wait3A_518, %dma_wait3A_520, %dma_wait3A_521] : memref<10x128x64xf32, #tpu.memory_space<vmem>> -> memref<1x128x64xf32, #tpu.memory_space<vmem>>
      %dma_wait3A_523 = tpu.memref_squeeze %dma_wait3A_522 : memref<1x128x64xf32, #tpu.memory_space<vmem>> -> memref<128x64xf32, #tpu.memory_space<vmem>>
      %dma_wait3A_524 = arith.constant 0 : i32
      %dma_wait3A_525 = tpu.memref_slice %arg5[%add3A_517, %dma_wait3A_524] : memref<200x128xi32, #tpu.memory_space<vmem>> -> memref<1x128xi32, #tpu.memory_space<vmem>>
      %dma_wait3A_526 = tpu.memref_squeeze %dma_wait3A_525 : memref<1x128xi32, #tpu.memory_space<vmem>> -> memref<128xi32, #tpu.memory_space<vmem>>
      %dma_wait3A_527 = arith.constant 0 : i32
      %dma_wait3A_528 = arith.constant 0 : i32
      %dma_wait3A_529 = tpu.memref_slice %arg3[%dma_wait3A_527, %dma_wait3A_528] : memref<1000002x64xf32, #tpu.memory_space<hbm>> -> memref<1000002x64xf32, #tpu.memory_space<hbm>>
      %dma_wait3A_530 = tpu.memref_slice %arg7[%dma_wait3A_519] : memref<10x!tpu.dma_semaphore, #tpu.memory_space<semaphore_mem>> -> memref<1x!tpu.dma_semaphore, #tpu.memory_space<semaphore_mem>>
      %dma_wait3A_531 = tpu.memref_squeeze %dma_wait3A_530 : memref<1x!tpu.dma_semaphore, #tpu.memory_space<semaphore_mem>> -> memref<!tpu.dma_semaphore, #tpu.memory_space<semaphore_mem>>
      tpu.wait_indirect_dma semaphore(%dma_wait3A_531 : memref<!tpu.dma_semaphore, #tpu.memory_space<semaphore_mem>>) src(%dma_wait3A_529 : memref<1000002x64xf32, #tpu.memory_space<hbm>>) dst(%dma_wait3A_523 : memref<128x64xf32, #tpu.memory_space<vmem>>)
      %mul3A_532 = arith.constant 128 : i32
      %mul3A_533 = arith.muli %add3A_517, %mul3A_532 : i32
      %add3A_534 = arith.addi %mul3A_2, %mul3A_533 : i32
      %dma_start3A_535 = arith.constant 6 : i32
      %dma_start3A_536 = arith.constant 6 : i32
      %dma_start3A_537 = arith.constant 0 : i32
      %dma_start3A_538 = arith.constant 0 : i32
      %dma_start3A_539 = tpu.memref_slice %arg6[%dma_start3A_535, %dma_start3A_537, %dma_start3A_538] : memref<10x128x64xf32, #tpu.memory_space<vmem>> -> memref<1x128x64xf32, #tpu.memory_space<vmem>>
      %dma_start3A_540 = tpu.memref_squeeze %dma_start3A_539 : memref<1x128x64xf32, #tpu.memory_space<vmem>> -> memref<128x64xf32, #tpu.memory_space<vmem>>
      %dma_start3A_541 = arith.constant 0 : i32
      %dma_start3A_542 = tpu.memref_slice %arg4[%add3A_534, %dma_start3A_541] : memref<819200x128xf32, #tpu.memory_space<hbm>> -> memref<128x64xf32, #tpu.memory_space<hbm>>
      %dma_start3A_543 = tpu.memref_slice %arg8[%dma_start3A_536] : memref<10x!tpu.dma_semaphore, #tpu.memory_space<semaphore_mem>> -> memref<1x!tpu.dma_semaphore, #tpu.memory_space<semaphore_mem>>
      %dma_start3A_544 = tpu.memref_squeeze %dma_start3A_543 : memref<1x!tpu.dma_semaphore, #tpu.memory_space<semaphore_mem>> -> memref<!tpu.dma_semaphore, #tpu.memory_space<semaphore_mem>>
      %dma_start3A_545 = arith.constant 0 : i32
      %dma_start3A_546 = tpu.memref_slice %arg4[%add3A_534, %dma_start3A_545] : memref<819200x128xf32, #tpu.memory_space<hbm>> -> memref<128x64xf32, #tpu.memory_space<hbm>>
      %dma_start3A_547 = arith.constant 0 : i32
      %dma_start3A_548 = arith.constant 0 : i32
      %dma_start3A_549 = tpu.memref_slice %arg6[%dma_start3A_535, %dma_start3A_547, %dma_start3A_548] : memref<10x128x64xf32, #tpu.memory_space<vmem>> -> memref<1x128x64xf32, #tpu.memory_space<vmem>>
      %dma_start3A_550 = tpu.memref_squeeze %dma_start3A_549 : memref<1x128x64xf32, #tpu.memory_space<vmem>> -> memref<128x64xf32, #tpu.memory_space<vmem>>
      tpu.enqueue_dma source(%dma_start3A_550 : memref<128x64xf32, #tpu.memory_space<vmem>>) target(%dma_start3A_546 : memref<128x64xf32, #tpu.memory_space<hbm>>) target_semaphore(%dma_start3A_544 : memref<!tpu.dma_semaphore, #tpu.memory_space<semaphore_mem>>)
      %dma_wait3A_551 = arith.constant 6 : i32
      %dma_wait3A_552 = arith.constant 6 : i32
      %dma_wait3A_553 = arith.constant 0 : i32
      %dma_wait3A_554 = arith.constant 0 : i32
      %dma_wait3A_555 = tpu.memref_slice %arg6[%dma_wait3A_551, %dma_wait3A_553, %dma_wait3A_554] : memref<10x128x64xf32, #tpu.memory_space<vmem>> -> memref<1x128x64xf32, #tpu.memory_space<vmem>>
      %dma_wait3A_556 = tpu.memref_squeeze %dma_wait3A_555 : memref<1x128x64xf32, #tpu.memory_space<vmem>> -> memref<128x64xf32, #tpu.memory_space<vmem>>
      %dma_wait3A_557 = arith.constant 0 : i32
      %dma_wait3A_558 = tpu.memref_slice %arg4[%add3A_534, %dma_wait3A_557] : memref<819200x128xf32, #tpu.memory_space<hbm>> -> memref<128x64xf32, #tpu.memory_space<hbm>>
      %dma_wait3A_559 = tpu.memref_slice %arg8[%dma_wait3A_552] : memref<10x!tpu.dma_semaphore, #tpu.memory_space<semaphore_mem>> -> memref<1x!tpu.dma_semaphore, #tpu.memory_space<semaphore_mem>>
      %dma_wait3A_560 = tpu.memref_squeeze %dma_wait3A_559 : memref<1x!tpu.dma_semaphore, #tpu.memory_space<semaphore_mem>> -> memref<!tpu.dma_semaphore, #tpu.memory_space<semaphore_mem>>
      %dma_wait3A_561 = arith.constant 0 : i32
      %dma_wait3A_562 = tpu.memref_slice %arg4[%add3A_534, %dma_wait3A_561] : memref<819200x128xf32, #tpu.memory_space<hbm>> -> memref<128x64xf32, #tpu.memory_space<hbm>>
      %dma_wait3A_563 = arith.constant 0 : i32
      %dma_wait3A_564 = arith.constant 0 : i32
      %dma_wait3A_565 = tpu.memref_slice %arg6[%dma_wait3A_551, %dma_wait3A_563, %dma_wait3A_564] : memref<10x128x64xf32, #tpu.memory_space<vmem>> -> memref<1x128x64xf32, #tpu.memory_space<vmem>>
      %dma_wait3A_566 = tpu.memref_squeeze %dma_wait3A_565 : memref<1x128x64xf32, #tpu.memory_space<vmem>> -> memref<128x64xf32, #tpu.memory_space<vmem>>
      tpu.wait_dma2 semaphore(%dma_wait3A_560 : memref<!tpu.dma_semaphore, #tpu.memory_space<semaphore_mem>>) src(%dma_wait3A_566 : memref<128x64xf32, #tpu.memory_space<vmem>>) dst(%dma_wait3A_562 : memref<128x64xf32, #tpu.memory_space<hbm>>)
      %add3A_567 = arith.constant 10 : i32
      %add3A_568 = arith.addi %add3A_517, %add3A_567 : i32
      %lt3A_569 = arith.constant 200 : i32
      %lt3A_570 = arith.cmpi slt, %add3A_568, %lt3A_569 : i32
      %convert_element_type3A_571 = arith.extui %lt3A_570 : i1 to i32
      %cond3A_572 = arith.constant 0 : i32
      %cond3A_573 = arith.cmpi ne, %convert_element_type3A_571, %cond3A_572 : i32
      scf.if %cond3A_573 {
        %add3A_754 = arith.constant 10 : i32
        %add3A_755 = arith.addi %add3A_517, %add3A_754 : i32
        %dma_start3A_756 = arith.constant 6 : i32
        %dma_start3A_757 = arith.constant 6 : i32
        %dma_start3A_758 = arith.constant 0 : i32
        %dma_start3A_759 = arith.constant 0 : i32
        %dma_start3A_760 = tpu.memref_slice %arg6[%dma_start3A_756, %dma_start3A_758, %dma_start3A_759] : memref<10x128x64xf32, #tpu.memory_space<vmem>> -> memref<1x128x64xf32, #tpu.memory_space<vmem>>
        %dma_start3A_761 = tpu.memref_squeeze %dma_start3A_760 : memref<1x128x64xf32, #tpu.memory_space<vmem>> -> memref<128x64xf32, #tpu.memory_space<vmem>>
        %dma_start3A_762 = arith.constant 0 : i32
        %dma_start3A_763 = tpu.memref_slice %arg5[%add3A_755, %dma_start3A_762] : memref<200x128xi32, #tpu.memory_space<vmem>> -> memref<1x128xi32, #tpu.memory_space<vmem>>
        %dma_start3A_764 = tpu.memref_squeeze %dma_start3A_763 : memref<1x128xi32, #tpu.memory_space<vmem>> -> memref<128xi32, #tpu.memory_space<vmem>>
        %dma_start3A_765 = arith.constant 0 : i32
        %dma_start3A_766 = arith.constant 0 : i32
        %dma_start3A_767 = tpu.memref_slice %arg3[%dma_start3A_765, %dma_start3A_766] : memref<1000002x64xf32, #tpu.memory_space<hbm>> -> memref<1000002x64xf32, #tpu.memory_space<hbm>>
        %dma_start3A_768 = tpu.memref_slice %arg7[%dma_start3A_757] : memref<10x!tpu.dma_semaphore, #tpu.memory_space<semaphore_mem>> -> memref<1x!tpu.dma_semaphore, #tpu.memory_space<semaphore_mem>>
        %dma_start3A_769 = tpu.memref_squeeze %dma_start3A_768 : memref<1x!tpu.dma_semaphore, #tpu.memory_space<semaphore_mem>> -> memref<!tpu.dma_semaphore, #tpu.memory_space<semaphore_mem>>
        tpu.enqueue_indirect_dma source(%dma_start3A_767 : memref<1000002x64xf32, #tpu.memory_space<hbm>>) target(%dma_start3A_761 : memref<128x64xf32, #tpu.memory_space<vmem>>) offsets(%dma_start3A_764 : memref<128xi32, #tpu.memory_space<vmem>>) semaphore(%dma_start3A_769 : memref<!tpu.dma_semaphore, #tpu.memory_space<semaphore_mem>>)
      } else {
      }
      %mul3A_574 = arith.constant 10 : i32
      %mul3A_575 = arith.muli %scan3A_157, %mul3A_574 : i32
      %add3A_576 = arith.constant 7 : i32
      %add3A_577 = arith.addi %mul3A_575, %add3A_576 : i32
      %dma_wait3A_578 = arith.constant 7 : i32
      %dma_wait3A_579 = arith.constant 7 : i32
      %dma_wait3A_580 = arith.constant 0 : i32
      %dma_wait3A_581 = arith.constant 0 : i32
      %dma_wait3A_582 = tpu.memref_slice %arg6[%dma_wait3A_578, %dma_wait3A_580, %dma_wait3A_581] : memref<10x128x64xf32, #tpu.memory_space<vmem>> -> memref<1x128x64xf32, #tpu.memory_space<vmem>>
      %dma_wait3A_583 = tpu.memref_squeeze %dma_wait3A_582 : memref<1x128x64xf32, #tpu.memory_space<vmem>> -> memref<128x64xf32, #tpu.memory_space<vmem>>
      %dma_wait3A_584 = arith.constant 0 : i32
      %dma_wait3A_585 = tpu.memref_slice %arg5[%add3A_577, %dma_wait3A_584] : memref<200x128xi32, #tpu.memory_space<vmem>> -> memref<1x128xi32, #tpu.memory_space<vmem>>
      %dma_wait3A_586 = tpu.memref_squeeze %dma_wait3A_585 : memref<1x128xi32, #tpu.memory_space<vmem>> -> memref<128xi32, #tpu.memory_space<vmem>>
      %dma_wait3A_587 = arith.constant 0 : i32
      %dma_wait3A_588 = arith.constant 0 : i32
      %dma_wait3A_589 = tpu.memref_slice %arg3[%dma_wait3A_587, %dma_wait3A_588] : memref<1000002x64xf32, #tpu.memory_space<hbm>> -> memref<1000002x64xf32, #tpu.memory_space<hbm>>
      %dma_wait3A_590 = tpu.memref_slice %arg7[%dma_wait3A_579] : memref<10x!tpu.dma_semaphore, #tpu.memory_space<semaphore_mem>> -> memref<1x!tpu.dma_semaphore, #tpu.memory_space<semaphore_mem>>
      %dma_wait3A_591 = tpu.memref_squeeze %dma_wait3A_590 : memref<1x!tpu.dma_semaphore, #tpu.memory_space<semaphore_mem>> -> memref<!tpu.dma_semaphore, #tpu.memory_space<semaphore_mem>>
      tpu.wait_indirect_dma semaphore(%dma_wait3A_591 : memref<!tpu.dma_semaphore, #tpu.memory_space<semaphore_mem>>) src(%dma_wait3A_589 : memref<1000002x64xf32, #tpu.memory_space<hbm>>) dst(%dma_wait3A_583 : memref<128x64xf32, #tpu.memory_space<vmem>>)
      %mul3A_592 = arith.constant 128 : i32
      %mul3A_593 = arith.muli %add3A_577, %mul3A_592 : i32
      %add3A_594 = arith.addi %mul3A_2, %mul3A_593 : i32
      %dma_start3A_595 = arith.constant 7 : i32
      %dma_start3A_596 = arith.constant 7 : i32
      %dma_start3A_597 = arith.constant 0 : i32
      %dma_start3A_598 = arith.constant 0 : i32
      %dma_start3A_599 = tpu.memref_slice %arg6[%dma_start3A_595, %dma_start3A_597, %dma_start3A_598] : memref<10x128x64xf32, #tpu.memory_space<vmem>> -> memref<1x128x64xf32, #tpu.memory_space<vmem>>
      %dma_start3A_600 = tpu.memref_squeeze %dma_start3A_599 : memref<1x128x64xf32, #tpu.memory_space<vmem>> -> memref<128x64xf32, #tpu.memory_space<vmem>>
      %dma_start3A_601 = arith.constant 0 : i32
      %dma_start3A_602 = tpu.memref_slice %arg4[%add3A_594, %dma_start3A_601] : memref<819200x128xf32, #tpu.memory_space<hbm>> -> memref<128x64xf32, #tpu.memory_space<hbm>>
      %dma_start3A_603 = tpu.memref_slice %arg8[%dma_start3A_596] : memref<10x!tpu.dma_semaphore, #tpu.memory_space<semaphore_mem>> -> memref<1x!tpu.dma_semaphore, #tpu.memory_space<semaphore_mem>>
      %dma_start3A_604 = tpu.memref_squeeze %dma_start3A_603 : memref<1x!tpu.dma_semaphore, #tpu.memory_space<semaphore_mem>> -> memref<!tpu.dma_semaphore, #tpu.memory_space<semaphore_mem>>
      %dma_start3A_605 = arith.constant 0 : i32
      %dma_start3A_606 = tpu.memref_slice %arg4[%add3A_594, %dma_start3A_605] : memref<819200x128xf32, #tpu.memory_space<hbm>> -> memref<128x64xf32, #tpu.memory_space<hbm>>
      %dma_start3A_607 = arith.constant 0 : i32
      %dma_start3A_608 = arith.constant 0 : i32
      %dma_start3A_609 = tpu.memref_slice %arg6[%dma_start3A_595, %dma_start3A_607, %dma_start3A_608] : memref<10x128x64xf32, #tpu.memory_space<vmem>> -> memref<1x128x64xf32, #tpu.memory_space<vmem>>
      %dma_start3A_610 = tpu.memref_squeeze %dma_start3A_609 : memref<1x128x64xf32, #tpu.memory_space<vmem>> -> memref<128x64xf32, #tpu.memory_space<vmem>>
      tpu.enqueue_dma source(%dma_start3A_610 : memref<128x64xf32, #tpu.memory_space<vmem>>) target(%dma_start3A_606 : memref<128x64xf32, #tpu.memory_space<hbm>>) target_semaphore(%dma_start3A_604 : memref<!tpu.dma_semaphore, #tpu.memory_space<semaphore_mem>>)
      %dma_wait3A_611 = arith.constant 7 : i32
      %dma_wait3A_612 = arith.constant 7 : i32
      %dma_wait3A_613 = arith.constant 0 : i32
      %dma_wait3A_614 = arith.constant 0 : i32
      %dma_wait3A_615 = tpu.memref_slice %arg6[%dma_wait3A_611, %dma_wait3A_613, %dma_wait3A_614] : memref<10x128x64xf32, #tpu.memory_space<vmem>> -> memref<1x128x64xf32, #tpu.memory_space<vmem>>
      %dma_wait3A_616 = tpu.memref_squeeze %dma_wait3A_615 : memref<1x128x64xf32, #tpu.memory_space<vmem>> -> memref<128x64xf32, #tpu.memory_space<vmem>>
      %dma_wait3A_617 = arith.constant 0 : i32
      %dma_wait3A_618 = tpu.memref_slice %arg4[%add3A_594, %dma_wait3A_617] : memref<819200x128xf32, #tpu.memory_space<hbm>> -> memref<128x64xf32, #tpu.memory_space<hbm>>
      %dma_wait3A_619 = tpu.memref_slice %arg8[%dma_wait3A_612] : memref<10x!tpu.dma_semaphore, #tpu.memory_space<semaphore_mem>> -> memref<1x!tpu.dma_semaphore, #tpu.memory_space<semaphore_mem>>
      %dma_wait3A_620 = tpu.memref_squeeze %dma_wait3A_619 : memref<1x!tpu.dma_semaphore, #tpu.memory_space<semaphore_mem>> -> memref<!tpu.dma_semaphore, #tpu.memory_space<semaphore_mem>>
      %dma_wait3A_621 = arith.constant 0 : i32
      %dma_wait3A_622 = tpu.memref_slice %arg4[%add3A_594, %dma_wait3A_621] : memref<819200x128xf32, #tpu.memory_space<hbm>> -> memref<128x64xf32, #tpu.memory_space<hbm>>
      %dma_wait3A_623 = arith.constant 0 : i32
      %dma_wait3A_624 = arith.constant 0 : i32
      %dma_wait3A_625 = tpu.memref_slice %arg6[%dma_wait3A_611, %dma_wait3A_623, %dma_wait3A_624] : memref<10x128x64xf32, #tpu.memory_space<vmem>> -> memref<1x128x64xf32, #tpu.memory_space<vmem>>
      %dma_wait3A_626 = tpu.memref_squeeze %dma_wait3A_625 : memref<1x128x64xf32, #tpu.memory_space<vmem>> -> memref<128x64xf32, #tpu.memory_space<vmem>>
      tpu.wait_dma2 semaphore(%dma_wait3A_620 : memref<!tpu.dma_semaphore, #tpu.memory_space<semaphore_mem>>) src(%dma_wait3A_626 : memref<128x64xf32, #tpu.memory_space<vmem>>) dst(%dma_wait3A_622 : memref<128x64xf32, #tpu.memory_space<hbm>>)
      %add3A_627 = arith.constant 10 : i32
      %add3A_628 = arith.addi %add3A_577, %add3A_627 : i32
      %lt3A_629 = arith.constant 200 : i32
      %lt3A_630 = arith.cmpi slt, %add3A_628, %lt3A_629 : i32
      %convert_element_type3A_631 = arith.extui %lt3A_630 : i1 to i32
      %cond3A_632 = arith.constant 0 : i32
      %cond3A_633 = arith.cmpi ne, %convert_element_type3A_631, %cond3A_632 : i32
      scf.if %cond3A_633 {
        %add3A_754 = arith.constant 10 : i32
        %add3A_755 = arith.addi %add3A_577, %add3A_754 : i32
        %dma_start3A_756 = arith.constant 7 : i32
        %dma_start3A_757 = arith.constant 7 : i32
        %dma_start3A_758 = arith.constant 0 : i32
        %dma_start3A_759 = arith.constant 0 : i32
        %dma_start3A_760 = tpu.memref_slice %arg6[%dma_start3A_756, %dma_start3A_758, %dma_start3A_759] : memref<10x128x64xf32, #tpu.memory_space<vmem>> -> memref<1x128x64xf32, #tpu.memory_space<vmem>>
        %dma_start3A_761 = tpu.memref_squeeze %dma_start3A_760 : memref<1x128x64xf32, #tpu.memory_space<vmem>> -> memref<128x64xf32, #tpu.memory_space<vmem>>
        %dma_start3A_762 = arith.constant 0 : i32
        %dma_start3A_763 = tpu.memref_slice %arg5[%add3A_755, %dma_start3A_762] : memref<200x128xi32, #tpu.memory_space<vmem>> -> memref<1x128xi32, #tpu.memory_space<vmem>>
        %dma_start3A_764 = tpu.memref_squeeze %dma_start3A_763 : memref<1x128xi32, #tpu.memory_space<vmem>> -> memref<128xi32, #tpu.memory_space<vmem>>
        %dma_start3A_765 = arith.constant 0 : i32
        %dma_start3A_766 = arith.constant 0 : i32
        %dma_start3A_767 = tpu.memref_slice %arg3[%dma_start3A_765, %dma_start3A_766] : memref<1000002x64xf32, #tpu.memory_space<hbm>> -> memref<1000002x64xf32, #tpu.memory_space<hbm>>
        %dma_start3A_768 = tpu.memref_slice %arg7[%dma_start3A_757] : memref<10x!tpu.dma_semaphore, #tpu.memory_space<semaphore_mem>> -> memref<1x!tpu.dma_semaphore, #tpu.memory_space<semaphore_mem>>
        %dma_start3A_769 = tpu.memref_squeeze %dma_start3A_768 : memref<1x!tpu.dma_semaphore, #tpu.memory_space<semaphore_mem>> -> memref<!tpu.dma_semaphore, #tpu.memory_space<semaphore_mem>>
        tpu.enqueue_indirect_dma source(%dma_start3A_767 : memref<1000002x64xf32, #tpu.memory_space<hbm>>) target(%dma_start3A_761 : memref<128x64xf32, #tpu.memory_space<vmem>>) offsets(%dma_start3A_764 : memref<128xi32, #tpu.memory_space<vmem>>) semaphore(%dma_start3A_769 : memref<!tpu.dma_semaphore, #tpu.memory_space<semaphore_mem>>)
      } else {
      }
      %mul3A_634 = arith.constant 10 : i32
      %mul3A_635 = arith.muli %scan3A_157, %mul3A_634 : i32
      %add3A_636 = arith.constant 8 : i32
      %add3A_637 = arith.addi %mul3A_635, %add3A_636 : i32
      %dma_wait3A_638 = arith.constant 8 : i32
      %dma_wait3A_639 = arith.constant 8 : i32
      %dma_wait3A_640 = arith.constant 0 : i32
      %dma_wait3A_641 = arith.constant 0 : i32
      %dma_wait3A_642 = tpu.memref_slice %arg6[%dma_wait3A_638, %dma_wait3A_640, %dma_wait3A_641] : memref<10x128x64xf32, #tpu.memory_space<vmem>> -> memref<1x128x64xf32, #tpu.memory_space<vmem>>
      %dma_wait3A_643 = tpu.memref_squeeze %dma_wait3A_642 : memref<1x128x64xf32, #tpu.memory_space<vmem>> -> memref<128x64xf32, #tpu.memory_space<vmem>>
      %dma_wait3A_644 = arith.constant 0 : i32
      %dma_wait3A_645 = tpu.memref_slice %arg5[%add3A_637, %dma_wait3A_644] : memref<200x128xi32, #tpu.memory_space<vmem>> -> memref<1x128xi32, #tpu.memory_space<vmem>>
      %dma_wait3A_646 = tpu.memref_squeeze %dma_wait3A_645 : memref<1x128xi32, #tpu.memory_space<vmem>> -> memref<128xi32, #tpu.memory_space<vmem>>
      %dma_wait3A_647 = arith.constant 0 : i32
      %dma_wait3A_648 = arith.constant 0 : i32
      %dma_wait3A_649 = tpu.memref_slice %arg3[%dma_wait3A_647, %dma_wait3A_648] : memref<1000002x64xf32, #tpu.memory_space<hbm>> -> memref<1000002x64xf32, #tpu.memory_space<hbm>>
      %dma_wait3A_650 = tpu.memref_slice %arg7[%dma_wait3A_639] : memref<10x!tpu.dma_semaphore, #tpu.memory_space<semaphore_mem>> -> memref<1x!tpu.dma_semaphore, #tpu.memory_space<semaphore_mem>>
      %dma_wait3A_651 = tpu.memref_squeeze %dma_wait3A_650 : memref<1x!tpu.dma_semaphore, #tpu.memory_space<semaphore_mem>> -> memref<!tpu.dma_semaphore, #tpu.memory_space<semaphore_mem>>
      tpu.wait_indirect_dma semaphore(%dma_wait3A_651 : memref<!tpu.dma_semaphore, #tpu.memory_space<semaphore_mem>>) src(%dma_wait3A_649 : memref<1000002x64xf32, #tpu.memory_space<hbm>>) dst(%dma_wait3A_643 : memref<128x64xf32, #tpu.memory_space<vmem>>)
      %mul3A_652 = arith.constant 128 : i32
      %mul3A_653 = arith.muli %add3A_637, %mul3A_652 : i32
      %add3A_654 = arith.addi %mul3A_2, %mul3A_653 : i32
      %dma_start3A_655 = arith.constant 8 : i32
      %dma_start3A_656 = arith.constant 8 : i32
      %dma_start3A_657 = arith.constant 0 : i32
      %dma_start3A_658 = arith.constant 0 : i32
      %dma_start3A_659 = tpu.memref_slice %arg6[%dma_start3A_655, %dma_start3A_657, %dma_start3A_658] : memref<10x128x64xf32, #tpu.memory_space<vmem>> -> memref<1x128x64xf32, #tpu.memory_space<vmem>>
      %dma_start3A_660 = tpu.memref_squeeze %dma_start3A_659 : memref<1x128x64xf32, #tpu.memory_space<vmem>> -> memref<128x64xf32, #tpu.memory_space<vmem>>
      %dma_start3A_661 = arith.constant 0 : i32
      %dma_start3A_662 = tpu.memref_slice %arg4[%add3A_654, %dma_start3A_661] : memref<819200x128xf32, #tpu.memory_space<hbm>> -> memref<128x64xf32, #tpu.memory_space<hbm>>
      %dma_start3A_663 = tpu.memref_slice %arg8[%dma_start3A_656] : memref<10x!tpu.dma_semaphore, #tpu.memory_space<semaphore_mem>> -> memref<1x!tpu.dma_semaphore, #tpu.memory_space<semaphore_mem>>
      %dma_start3A_664 = tpu.memref_squeeze %dma_start3A_663 : memref<1x!tpu.dma_semaphore, #tpu.memory_space<semaphore_mem>> -> memref<!tpu.dma_semaphore, #tpu.memory_space<semaphore_mem>>
      %dma_start3A_665 = arith.constant 0 : i32
      %dma_start3A_666 = tpu.memref_slice %arg4[%add3A_654, %dma_start3A_665] : memref<819200x128xf32, #tpu.memory_space<hbm>> -> memref<128x64xf32, #tpu.memory_space<hbm>>
      %dma_start3A_667 = arith.constant 0 : i32
      %dma_start3A_668 = arith.constant 0 : i32
      %dma_start3A_669 = tpu.memref_slice %arg6[%dma_start3A_655, %dma_start3A_667, %dma_start3A_668] : memref<10x128x64xf32, #tpu.memory_space<vmem>> -> memref<1x128x64xf32, #tpu.memory_space<vmem>>
      %dma_start3A_670 = tpu.memref_squeeze %dma_start3A_669 : memref<1x128x64xf32, #tpu.memory_space<vmem>> -> memref<128x64xf32, #tpu.memory_space<vmem>>
      tpu.enqueue_dma source(%dma_start3A_670 : memref<128x64xf32, #tpu.memory_space<vmem>>) target(%dma_start3A_666 : memref<128x64xf32, #tpu.memory_space<hbm>>) target_semaphore(%dma_start3A_664 : memref<!tpu.dma_semaphore, #tpu.memory_space<semaphore_mem>>)
      %dma_wait3A_671 = arith.constant 8 : i32
      %dma_wait3A_672 = arith.constant 8 : i32
      %dma_wait3A_673 = arith.constant 0 : i32
      %dma_wait3A_674 = arith.constant 0 : i32
      %dma_wait3A_675 = tpu.memref_slice %arg6[%dma_wait3A_671, %dma_wait3A_673, %dma_wait3A_674] : memref<10x128x64xf32, #tpu.memory_space<vmem>> -> memref<1x128x64xf32, #tpu.memory_space<vmem>>
      %dma_wait3A_676 = tpu.memref_squeeze %dma_wait3A_675 : memref<1x128x64xf32, #tpu.memory_space<vmem>> -> memref<128x64xf32, #tpu.memory_space<vmem>>
      %dma_wait3A_677 = arith.constant 0 : i32
      %dma_wait3A_678 = tpu.memref_slice %arg4[%add3A_654, %dma_wait3A_677] : memref<819200x128xf32, #tpu.memory_space<hbm>> -> memref<128x64xf32, #tpu.memory_space<hbm>>
      %dma_wait3A_679 = tpu.memref_slice %arg8[%dma_wait3A_672] : memref<10x!tpu.dma_semaphore, #tpu.memory_space<semaphore_mem>> -> memref<1x!tpu.dma_semaphore, #tpu.memory_space<semaphore_mem>>
      %dma_wait3A_680 = tpu.memref_squeeze %dma_wait3A_679 : memref<1x!tpu.dma_semaphore, #tpu.memory_space<semaphore_mem>> -> memref<!tpu.dma_semaphore, #tpu.memory_space<semaphore_mem>>
      %dma_wait3A_681 = arith.constant 0 : i32
      %dma_wait3A_682 = tpu.memref_slice %arg4[%add3A_654, %dma_wait3A_681] : memref<819200x128xf32, #tpu.memory_space<hbm>> -> memref<128x64xf32, #tpu.memory_space<hbm>>
      %dma_wait3A_683 = arith.constant 0 : i32
      %dma_wait3A_684 = arith.constant 0 : i32
      %dma_wait3A_685 = tpu.memref_slice %arg6[%dma_wait3A_671, %dma_wait3A_683, %dma_wait3A_684] : memref<10x128x64xf32, #tpu.memory_space<vmem>> -> memref<1x128x64xf32, #tpu.memory_space<vmem>>
      %dma_wait3A_686 = tpu.memref_squeeze %dma_wait3A_685 : memref<1x128x64xf32, #tpu.memory_space<vmem>> -> memref<128x64xf32, #tpu.memory_space<vmem>>
      tpu.wait_dma2 semaphore(%dma_wait3A_680 : memref<!tpu.dma_semaphore, #tpu.memory_space<semaphore_mem>>) src(%dma_wait3A_686 : memref<128x64xf32, #tpu.memory_space<vmem>>) dst(%dma_wait3A_682 : memref<128x64xf32, #tpu.memory_space<hbm>>)
      %add3A_687 = arith.constant 10 : i32
      %add3A_688 = arith.addi %add3A_637, %add3A_687 : i32
      %lt3A_689 = arith.constant 200 : i32
      %lt3A_690 = arith.cmpi slt, %add3A_688, %lt3A_689 : i32
      %convert_element_type3A_691 = arith.extui %lt3A_690 : i1 to i32
      %cond3A_692 = arith.constant 0 : i32
      %cond3A_693 = arith.cmpi ne, %convert_element_type3A_691, %cond3A_692 : i32
      scf.if %cond3A_693 {
        %add3A_754 = arith.constant 10 : i32
        %add3A_755 = arith.addi %add3A_637, %add3A_754 : i32
        %dma_start3A_756 = arith.constant 8 : i32
        %dma_start3A_757 = arith.constant 8 : i32
        %dma_start3A_758 = arith.constant 0 : i32
        %dma_start3A_759 = arith.constant 0 : i32
        %dma_start3A_760 = tpu.memref_slice %arg6[%dma_start3A_756, %dma_start3A_758, %dma_start3A_759] : memref<10x128x64xf32, #tpu.memory_space<vmem>> -> memref<1x128x64xf32, #tpu.memory_space<vmem>>
        %dma_start3A_761 = tpu.memref_squeeze %dma_start3A_760 : memref<1x128x64xf32, #tpu.memory_space<vmem>> -> memref<128x64xf32, #tpu.memory_space<vmem>>
        %dma_start3A_762 = arith.constant 0 : i32
        %dma_start3A_763 = tpu.memref_slice %arg5[%add3A_755, %dma_start3A_762] : memref<200x128xi32, #tpu.memory_space<vmem>> -> memref<1x128xi32, #tpu.memory_space<vmem>>
        %dma_start3A_764 = tpu.memref_squeeze %dma_start3A_763 : memref<1x128xi32, #tpu.memory_space<vmem>> -> memref<128xi32, #tpu.memory_space<vmem>>
        %dma_start3A_765 = arith.constant 0 : i32
        %dma_start3A_766 = arith.constant 0 : i32
        %dma_start3A_767 = tpu.memref_slice %arg3[%dma_start3A_765, %dma_start3A_766] : memref<1000002x64xf32, #tpu.memory_space<hbm>> -> memref<1000002x64xf32, #tpu.memory_space<hbm>>
        %dma_start3A_768 = tpu.memref_slice %arg7[%dma_start3A_757] : memref<10x!tpu.dma_semaphore, #tpu.memory_space<semaphore_mem>> -> memref<1x!tpu.dma_semaphore, #tpu.memory_space<semaphore_mem>>
        %dma_start3A_769 = tpu.memref_squeeze %dma_start3A_768 : memref<1x!tpu.dma_semaphore, #tpu.memory_space<semaphore_mem>> -> memref<!tpu.dma_semaphore, #tpu.memory_space<semaphore_mem>>
        tpu.enqueue_indirect_dma source(%dma_start3A_767 : memref<1000002x64xf32, #tpu.memory_space<hbm>>) target(%dma_start3A_761 : memref<128x64xf32, #tpu.memory_space<vmem>>) offsets(%dma_start3A_764 : memref<128xi32, #tpu.memory_space<vmem>>) semaphore(%dma_start3A_769 : memref<!tpu.dma_semaphore, #tpu.memory_space<semaphore_mem>>)
      } else {
      }
      %mul3A_694 = arith.constant 10 : i32
      %mul3A_695 = arith.muli %scan3A_157, %mul3A_694 : i32
      %add3A_696 = arith.constant 9 : i32
      %add3A_697 = arith.addi %mul3A_695, %add3A_696 : i32
      %dma_wait3A_698 = arith.constant 9 : i32
      %dma_wait3A_699 = arith.constant 9 : i32
      %dma_wait3A_700 = arith.constant 0 : i32
      %dma_wait3A_701 = arith.constant 0 : i32
      %dma_wait3A_702 = tpu.memref_slice %arg6[%dma_wait3A_698, %dma_wait3A_700, %dma_wait3A_701] : memref<10x128x64xf32, #tpu.memory_space<vmem>> -> memref<1x128x64xf32, #tpu.memory_space<vmem>>
      %dma_wait3A_703 = tpu.memref_squeeze %dma_wait3A_702 : memref<1x128x64xf32, #tpu.memory_space<vmem>> -> memref<128x64xf32, #tpu.memory_space<vmem>>
      %dma_wait3A_704 = arith.constant 0 : i32
      %dma_wait3A_705 = tpu.memref_slice %arg5[%add3A_697, %dma_wait3A_704] : memref<200x128xi32, #tpu.memory_space<vmem>> -> memref<1x128xi32, #tpu.memory_space<vmem>>
      %dma_wait3A_706 = tpu.memref_squeeze %dma_wait3A_705 : memref<1x128xi32, #tpu.memory_space<vmem>> -> memref<128xi32, #tpu.memory_space<vmem>>
      %dma_wait3A_707 = arith.constant 0 : i32
      %dma_wait3A_708 = arith.constant 0 : i32
      %dma_wait3A_709 = tpu.memref_slice %arg3[%dma_wait3A_707, %dma_wait3A_708] : memref<1000002x64xf32, #tpu.memory_space<hbm>> -> memref<1000002x64xf32, #tpu.memory_space<hbm>>
      %dma_wait3A_710 = tpu.memref_slice %arg7[%dma_wait3A_699] : memref<10x!tpu.dma_semaphore, #tpu.memory_space<semaphore_mem>> -> memref<1x!tpu.dma_semaphore, #tpu.memory_space<semaphore_mem>>
      %dma_wait3A_711 = tpu.memref_squeeze %dma_wait3A_710 : memref<1x!tpu.dma_semaphore, #tpu.memory_space<semaphore_mem>> -> memref<!tpu.dma_semaphore, #tpu.memory_space<semaphore_mem>>
      tpu.wait_indirect_dma semaphore(%dma_wait3A_711 : memref<!tpu.dma_semaphore, #tpu.memory_space<semaphore_mem>>) src(%dma_wait3A_709 : memref<1000002x64xf32, #tpu.memory_space<hbm>>) dst(%dma_wait3A_703 : memref<128x64xf32, #tpu.memory_space<vmem>>)
      %mul3A_712 = arith.constant 128 : i32
      %mul3A_713 = arith.muli %add3A_697, %mul3A_712 : i32
      %add3A_714 = arith.addi %mul3A_2, %mul3A_713 : i32
      %dma_start3A_715 = arith.constant 9 : i32
      %dma_start3A_716 = arith.constant 9 : i32
      %dma_start3A_717 = arith.constant 0 : i32
      %dma_start3A_718 = arith.constant 0 : i32
      %dma_start3A_719 = tpu.memref_slice %arg6[%dma_start3A_715, %dma_start3A_717, %dma_start3A_718] : memref<10x128x64xf32, #tpu.memory_space<vmem>> -> memref<1x128x64xf32, #tpu.memory_space<vmem>>
      %dma_start3A_720 = tpu.memref_squeeze %dma_start3A_719 : memref<1x128x64xf32, #tpu.memory_space<vmem>> -> memref<128x64xf32, #tpu.memory_space<vmem>>
      %dma_start3A_721 = arith.constant 0 : i32
      %dma_start3A_722 = tpu.memref_slice %arg4[%add3A_714, %dma_start3A_721] : memref<819200x128xf32, #tpu.memory_space<hbm>> -> memref<128x64xf32, #tpu.memory_space<hbm>>
      %dma_start3A_723 = tpu.memref_slice %arg8[%dma_start3A_716] : memref<10x!tpu.dma_semaphore, #tpu.memory_space<semaphore_mem>> -> memref<1x!tpu.dma_semaphore, #tpu.memory_space<semaphore_mem>>
      %dma_start3A_724 = tpu.memref_squeeze %dma_start3A_723 : memref<1x!tpu.dma_semaphore, #tpu.memory_space<semaphore_mem>> -> memref<!tpu.dma_semaphore, #tpu.memory_space<semaphore_mem>>
      %dma_start3A_725 = arith.constant 0 : i32
      %dma_start3A_726 = tpu.memref_slice %arg4[%add3A_714, %dma_start3A_725] : memref<819200x128xf32, #tpu.memory_space<hbm>> -> memref<128x64xf32, #tpu.memory_space<hbm>>
      %dma_start3A_727 = arith.constant 0 : i32
      %dma_start3A_728 = arith.constant 0 : i32
      %dma_start3A_729 = tpu.memref_slice %arg6[%dma_start3A_715, %dma_start3A_727, %dma_start3A_728] : memref<10x128x64xf32, #tpu.memory_space<vmem>> -> memref<1x128x64xf32, #tpu.memory_space<vmem>>
      %dma_start3A_730 = tpu.memref_squeeze %dma_start3A_729 : memref<1x128x64xf32, #tpu.memory_space<vmem>> -> memref<128x64xf32, #tpu.memory_space<vmem>>
      tpu.enqueue_dma source(%dma_start3A_730 : memref<128x64xf32, #tpu.memory_space<vmem>>) target(%dma_start3A_726 : memref<128x64xf32, #tpu.memory_space<hbm>>) target_semaphore(%dma_start3A_724 : memref<!tpu.dma_semaphore, #tpu.memory_space<semaphore_mem>>)
      %dma_wait3A_731 = arith.constant 9 : i32
      %dma_wait3A_732 = arith.constant 9 : i32
      %dma_wait3A_733 = arith.constant 0 : i32
      %dma_wait3A_734 = arith.constant 0 : i32
      %dma_wait3A_735 = tpu.memref_slice %arg6[%dma_wait3A_731, %dma_wait3A_733, %dma_wait3A_734] : memref<10x128x64xf32, #tpu.memory_space<vmem>> -> memref<1x128x64xf32, #tpu.memory_space<vmem>>
      %dma_wait3A_736 = tpu.memref_squeeze %dma_wait3A_735 : memref<1x128x64xf32, #tpu.memory_space<vmem>> -> memref<128x64xf32, #tpu.memory_space<vmem>>
      %dma_wait3A_737 = arith.constant 0 : i32
      %dma_wait3A_738 = tpu.memref_slice %arg4[%add3A_714, %dma_wait3A_737] : memref<819200x128xf32, #tpu.memory_space<hbm>> -> memref<128x64xf32, #tpu.memory_space<hbm>>
      %dma_wait3A_739 = tpu.memref_slice %arg8[%dma_wait3A_732] : memref<10x!tpu.dma_semaphore, #tpu.memory_space<semaphore_mem>> -> memref<1x!tpu.dma_semaphore, #tpu.memory_space<semaphore_mem>>
      %dma_wait3A_740 = tpu.memref_squeeze %dma_wait3A_739 : memref<1x!tpu.dma_semaphore, #tpu.memory_space<semaphore_mem>> -> memref<!tpu.dma_semaphore, #tpu.memory_space<semaphore_mem>>
      %dma_wait3A_741 = arith.constant 0 : i32
      %dma_wait3A_742 = tpu.memref_slice %arg4[%add3A_714, %dma_wait3A_741] : memref<819200x128xf32, #tpu.memory_space<hbm>> -> memref<128x64xf32, #tpu.memory_space<hbm>>
      %dma_wait3A_743 = arith.constant 0 : i32
      %dma_wait3A_744 = arith.constant 0 : i32
      %dma_wait3A_745 = tpu.memref_slice %arg6[%dma_wait3A_731, %dma_wait3A_743, %dma_wait3A_744] : memref<10x128x64xf32, #tpu.memory_space<vmem>> -> memref<1x128x64xf32, #tpu.memory_space<vmem>>
      %dma_wait3A_746 = tpu.memref_squeeze %dma_wait3A_745 : memref<1x128x64xf32, #tpu.memory_space<vmem>> -> memref<128x64xf32, #tpu.memory_space<vmem>>
      tpu.wait_dma2 semaphore(%dma_wait3A_740 : memref<!tpu.dma_semaphore, #tpu.memory_space<semaphore_mem>>) src(%dma_wait3A_746 : memref<128x64xf32, #tpu.memory_space<vmem>>) dst(%dma_wait3A_742 : memref<128x64xf32, #tpu.memory_space<hbm>>)
      %add3A_747 = arith.constant 10 : i32
      %add3A_748 = arith.addi %add3A_697, %add3A_747 : i32
      %lt3A_749 = arith.constant 200 : i32
      %lt3A_750 = arith.cmpi slt, %add3A_748, %lt3A_749 : i32
      %convert_element_type3A_751 = arith.extui %lt3A_750 : i1 to i32
      %cond3A_752 = arith.constant 0 : i32
      %cond3A_753 = arith.cmpi ne, %convert_element_type3A_751, %cond3A_752 : i32
      scf.if %cond3A_753 {
        %add3A_754 = arith.constant 10 : i32
        %add3A_755 = arith.addi %add3A_697, %add3A_754 : i32
        %dma_start3A_756 = arith.constant 9 : i32
        %dma_start3A_757 = arith.constant 9 : i32
        %dma_start3A_758 = arith.constant 0 : i32
        %dma_start3A_759 = arith.constant 0 : i32
        %dma_start3A_760 = tpu.memref_slice %arg6[%dma_start3A_756, %dma_start3A_758, %dma_start3A_759] : memref<10x128x64xf32, #tpu.memory_space<vmem>> -> memref<1x128x64xf32, #tpu.memory_space<vmem>>
        %dma_start3A_761 = tpu.memref_squeeze %dma_start3A_760 : memref<1x128x64xf32, #tpu.memory_space<vmem>> -> memref<128x64xf32, #tpu.memory_space<vmem>>
        %dma_start3A_762 = arith.constant 0 : i32
        %dma_start3A_763 = tpu.memref_slice %arg5[%add3A_755, %dma_start3A_762] : memref<200x128xi32, #tpu.memory_space<vmem>> -> memref<1x128xi32, #tpu.memory_space<vmem>>
        %dma_start3A_764 = tpu.memref_squeeze %dma_start3A_763 : memref<1x128xi32, #tpu.memory_space<vmem>> -> memref<128xi32, #tpu.memory_space<vmem>>
        %dma_start3A_765 = arith.constant 0 : i32
        %dma_start3A_766 = arith.constant 0 : i32
        %dma_start3A_767 = tpu.memref_slice %arg3[%dma_start3A_765, %dma_start3A_766] : memref<1000002x64xf32, #tpu.memory_space<hbm>> -> memref<1000002x64xf32, #tpu.memory_space<hbm>>
        %dma_start3A_768 = tpu.memref_slice %arg7[%dma_start3A_757] : memref<10x!tpu.dma_semaphore, #tpu.memory_space<semaphore_mem>> -> memref<1x!tpu.dma_semaphore, #tpu.memory_space<semaphore_mem>>
        %dma_start3A_769 = tpu.memref_squeeze %dma_start3A_768 : memref<1x!tpu.dma_semaphore, #tpu.memory_space<semaphore_mem>> -> memref<!tpu.dma_semaphore, #tpu.memory_space<semaphore_mem>>
        tpu.enqueue_indirect_dma source(%dma_start3A_767 : memref<1000002x64xf32, #tpu.memory_space<hbm>>) target(%dma_start3A_761 : memref<128x64xf32, #tpu.memory_space<vmem>>) offsets(%dma_start3A_764 : memref<128xi32, #tpu.memory_space<vmem>>) semaphore(%dma_start3A_769 : memref<!tpu.dma_semaphore, #tpu.memory_space<semaphore_mem>>)
      } else {
      }
    }
    %scan3A_156 = arith.constant 20 : i32
    return
  }
}

</mosaic_0001>

<sc_bundles>
// kernel: kernel.3.cloned.1.call-start
scs
__scs_entry_jumppad:
0x0: {  	(pc) =	sbr.rel $0x88, $3  }
0x1: {  	(tag) =	ssettag $0x0;
	lr =	simm.s32 $0x1  }
0x2: {  	[smem:$0x3F9F] =	sst lr;
	_ =	strace $0xD0000000  }
0x3: {  	_ = 	snop  }
0x4: {  	_ = 	snop  }
0x5: {  	_ = 	snop  }
0x6: {  	_ = 	snop  }
0x7: {  	_ = 	snop  }
__scs_overlays_trampoline_lowered:
0x8: {  	[smem:$0x3FAE] =	sst s0  }
0x9: {  	[smem:$0x3FAF] =	sst s1  }
0xa: {  	[smem:$0x3FB0] =	sst s2  }
0xb: {  	[smem:$0x3FB1] =	sst s3  }
0xc: {  	[smem:$0x3FB2] =	sst s4  }
0xd: {  	[smem:$0x3FB3] =	sst s5  }
0xe: {  	[smem:$0x3FB4] =	sst s6  }
0xf: {  	[smem:$0x3FB5] =	sst s7  }
0x10: {  	[smem:$0x3FB6] =	sst s8  }
0x11: {  	[smem:$0x3FB7] =	sst s9;
	s0 =	simm.s32 @!p0 $0x0  }
0x12: {  	s1 =	sld [smem:$0x3F9D];
	s0 =	simm.s32 @p0 $0x1  }
0x13: {  	[smem:$0x3FB8] =	sst s0;
	s0 =	simm.s32 @!p1 $0x0  }
0x14: {  	s2 =	sld [smem:$0x3F9C];
	s0 =	simm.s32 @p1 $0x1  }
0x15: {  	[smem:$0x3FB9] =	sst s0;
	s0 =	simm.s32 @!p2 $0x0  }
0x16: {  	s3 =	sld [smem:$0x3FDB];
	s0 =	simm.s32 @p2 $0x1  }
0x17: {  	s4 =	simm.s32 $0x1BF5;
	[smem:$0x3FBB] =	sst s0  }
0x18: {  	s0 =	sld [smem:$0x3F9E];
	_ =	swait.ge [sflag:s4], $0x0  }
0x19: {  	s7 =	sld [smem:$0x3F9F]  }
0x1a: {  	s8 =	sadd.s32 $0xFFFFE003, lr  }
0x1b: {  	s9 =	sadd.s32 $0xFFFFFEF7, lr;
	s5 =	simm.s32 $0xFFFFFFFF;
	p2 =	slt.u32 s8, $0xFFFFF086  }
0x1c: {  	p1 =	slt.u32 s9, $0xF7A;
	s5 =	simm.s32 @!p2 $0x0  }
0x1d: {  	s5 =	simm.s32 @p1 $0x1;
	p0 =	seq.s32 s7, s2  }
0x1e: {  	s7 =	smul.u32 @!p0 $0xF7A, s2;
	p2 =	seq.s32 @!p0 s5, $0x0  }
0x1f: {  	s9 =	smul.u32 $0xF7A, s1;
	s8 =	simm.s32 @!p0 $0x1BF5;
	p2 =	por !p2, p0  }
0x20: {  	[sflag:s8] =	ssyncset.s32 @!p0 $0xFFFFF086;
	s6 =	sadd.s32 @!p0 s3, s7;
	s7 =	simm.s32 @!p0 $0x108  }
0x21: {  	s3 =	sadd.s32 s3, s9;
	s6 =	sadd.s32 @!p0 $0x88, s6;
	s7 =	simm.s32 @p2 $0x1082  }
0x22: {  	[simem:s7], [sflag:s8] =	dma.local @!p0 [hbm:s6], $0xF7A  }
0x23: {  	s9 =	sor.u32 $0xD0000000, s2;
	s6 =	simm.s32 $0x108;
	_ =	swait.ge @!p0 [sflag:s8], $0x0  }
0x24: {  	s3 =	sadd.s32 $0x88, s3;
	s6 =	simm.s32 @!p1 $0x1082;
	[sflag:s4] =	ssyncset.s32 $0xFFFFF086  }
0x25: {  	[simem:s6], [sflag:s4] =	dma.local [hbm:s3], $0xF7A  }
0x26: {  	[smem:$0x3F9F] =	sst s1;
	(tag) =	ssettag s2;
	_ =	strace s9  }
0x27: {  	s1 =	sld [smem:$0x3FAF]  }
0x28: {  	s2 =	sld [smem:$0x3FB0]  }
0x29: {  	s4 =	sld [smem:$0x3FB2]  }
0x2a: {  	p0 =	seq.s32 s5, $0x0;
	s5 =	sld [smem:$0x3FB3]  }
0x2b: {  	s6 =	sld [smem:$0x3FB4]  }
0x2c: {  	s7 =	sld [smem:$0x3FB5]  }
0x2d: {  	s3 =	simm.s32 $0x108;
	s8 =	sld [smem:$0x3FB6]  }
0x2e: {  	s3 =	simm.s32 @!p0 $0x1082;
	s9 =	sld [smem:$0x3FB7]  }
0x2f: {  	lr =	sadd.s32 s0, s3;
	s0 =	sld [smem:$0x3FAE]  }
0x30: {  	s3 =	sld [smem:$0x3FB1]  }
0x31: {  	[smem:$0x3FBA] =	sst s10  }
0x32: {  	s10 =	sld [smem:$0x3FB8];
	_ =	sdelay $0x3  }
0x33: {  	p0 =	seq.s32 s10, $0x1;
	s10 =	sld [smem:$0x3FBA];
	_ =	sdelay $0x3  }
0x34: {  	[smem:$0x3FBA] =	sst s10  }
0x35: {  	s10 =	sld [smem:$0x3FB9];
	_ =	sdelay $0x3  }
0x36: {  	p1 =	seq.s32 s10, $0x1;
	s10 =	sld [smem:$0x3FBA];
	_ =	sdelay $0x3  }
0x37: {  	[smem:$0x3FBA] =	sst s10  }
0x38: {  	s10 =	sld [smem:$0x3FBB]  }
0x39: {  	_ = 	snop;
	(pc) =	sbr.ind lr, $3  }
0x3a: {  	_ = 	snop  }
0x3b: {  	_ = 	snop  }
0x3c: {  	p2 =	seq.s32 s10, $0x1;
	s10 =	sld [smem:$0x3FBA]  }
0x3d: {  	_ =	shalt  }
0x3e: {  	_ =	shalt  }
0x3f: {  	_ =	shalt  }
0x40: {  	_ =	shalt  }
0x41: {  	_ =	shalt  }
0x42: {  	_ =	shalt  }
0x43: {  	_ =	shalt  }
0x44: {  	_ =	shalt  }
0x45: {  	_ =	shalt  }
0x46: {  	_ =	shalt  }
0x47: {  	_ =	shalt  }
0x48: {  	_ =	shalt  }
0x49: {  	_ =	shalt  }
0x4a: {  	_ =	shalt  }
0x4b: {  	_ =	shalt  }
0x4c: {  	_ =	shalt  }
0x4d: {  	_ =	shalt  }
0x4e: {  	_ =	shalt  }
0x4f: {  	_ =	shalt  }
0x50: {  	_ =	shalt  }
0x51: {  	_ =	shalt  }
0x52: {  	_ =	shalt  }
0x53: {  	_ =	shalt  }
0x54: {  	_ =	shalt  }
0x55: {  	_ =	shalt  }
0x56: {  	_ =	shalt  }
0x57: {  	_ =	shalt  }
0x58: {  	_ =	shalt  }
0x59: {  	_ =	shalt  }
0x5a: {  	_ =	shalt  }
0x5b: {  	_ =	shalt  }
0x5c: {  	_ =	shalt  }
0x5d: {  	_ =	shalt  }
0x5e: {  	_ =	shalt  }
0x5f: {  	_ =	shalt  }
0x60: {  	_ =	shalt  }
0x61: {  	_ =	shalt  }
0x62: {  	_ =	shalt  }
0x63: {  	_ =	shalt  }
0x64: {  	_ =	shalt  }
0x65: {  	_ =	shalt  }
0x66: {  	_ =	shalt  }
0x67: {  	_ =	shalt  }
0x68: {  	_ =	shalt  }
0x69: {  	_ =	shalt  }
0x6a: {  	_ =	shalt  }
0x6b: {  	_ =	shalt  }
0x6c: {  	_ =	shalt  }
0x6d: {  	_ =	shalt  }
0x6e: {  	_ =	shalt  }
0x6f: {  	_ =	shalt  }
0x70: {  	_ =	shalt  }
0x71: {  	_ =	shalt  }
0x72: {  	_ =	shalt  }
0x73: {  	_ =	shalt  }
0x74: {  	_ =	shalt  }
0x75: {  	_ =	shalt  }
0x76: {  	_ =	shalt  }
0x77: {  	_ =	shalt  }
0x78: {  	_ =	shalt  }
0x79: {  	_ =	shalt  }
0x7a: {  	_ =	shalt  }
0x7b: {  	_ =	shalt  }
0x7c: {  	_ =	shalt  }
0x7d: {  	_ =	shalt  }
0x7e: {  	_ =	shalt  }
0x7f: {  	_ =	shalt  }
0x80: {  	_ =	shalt  }
0x81: {  	_ =	shalt  }
0x82: {  	_ =	shalt  }
0x83: {  	_ =	shalt  }
0x84: {  	_ =	shalt  }
0x85: {  	_ =	shalt  }
0x86: {  	_ =	shalt  }
0x87: {  	_ =	shalt  }
.Lfunc_end0:
.L_simem_size_0:
called_computation.1_lowered:
.L_overlay_start_0:
0x88: {  	s2 =	sld [smem:$0x3FD9]  }
0x89: {  	s3 =	sld [smem:$0x3FFE];
	_ =	sdelay $0x1  }
0x8a: {  	s1 =	srdreg.scid  }
0x8b: {  	s0 =	sand.u32 $0x1, s1  }
0x8c: {  	s17 =	sshll.u32 s0, $0xA;
	s2 =	sadd.s32 s3, s2  }
0x8d: {  	s2 =	sadd.s32 s2, s17  }
0x8e: {  	[smem:$0x3FC6] =	sst s2  }
0x8f: {  	_ = 	snop  }
0x90: {  	s2 =	sld [smem:$0x3FD0];
	(tm) =	ssettm $0x1  }
0x91: {  	s18 =	sld [smem:$0x3FFB];
	_ =	sdelay $0x3  }
0x92: {  	_ =	strace s18  }
0x93: {  	s3 =	sld [smem:$0x3FFC];
	_ =	sdelay $0x3  }
0x94: {  	_ =	strace s3  }
0x95: {  	s3 =	sld [smem:$0x3FFD];
	_ =	sdelay $0x3  }
0x96: {  	_ =	strace s3  }
0x97: {  	_ =	strace $0x8FFFFFFF  }
0x98: {  	s19 =	sld [smem:$0x3FDB];
	_ =	sdelay $0x1  }
0x99: {  	s4 =	simm.s32 $_scs_section_size  }
0x9a: {  	s5 =	simm.s32 $_size__tile_overlayer_lowered;
	s6 =	simm.s32 $_tile_overlayer_lowered  }
0x9b: {  	s22 =	simm.s32 $0x1BFF;
	s21 =	sshll.u32 s6, $0x1;
	s3 =	sadd.s32 s4, s19  }
0x9c: {  	s7 =	simm.s32 $0x0;
	s20 =	sshll.u32 s5, $0x1;
	s5 =	sadd.s32 s21, s3  }
0x9d: {  	[timem:s7], [sflag:s22] =	dma.local [hbm:s5], s20  }
0x9e: {  	_ =	swait.ge [sflag:s22], s20  }
0x9f: {  	s4 =	ssub.s32 $0x0, s20;
	[sflag:s22] =	ssyncset.done $0x0  }
0xa0: {  	[sflag:s22] =	ssyncadd.s32 s4;
	_ =	sdelay $0x1  }
0xa1: {  	s23 =	simm.s32 $0x1B8B  }
0xa2: {  	_ =	swait.ge [sflag:s23], $0x1  }
0xa3: {  	[sflag:s23] =	ssyncset.done $0x0  }
0xa4: {  	s25 =	simm.s32 $0x1B8E;
	s24 =	sld [smem:$0x3FFE];
	[sflag:s23] =	ssyncadd.s32 $0xFFFFFFFF  }
0xa5: {  	s26 =	simm.s32 $execute0_lowered;
	[smem:$0x3FD2] =	sst s25  }
0xa6: {  	s5 =	sshll.u32 s26, $0x1;
	_ =	strace $0x80000046;
	[dreg:$0x1] =	wrdreg $0xFFFFFFFF  }
0xa7: {  	s28 =	simm.s32 $_size_execute0_lowered;
	s3 =	sadd.s32 s3, s5;
	[dreg:$0x0] =	wrdreg $0x0  }
0xa8: {  	s5 =	sshll.u32 s28, $0x1;
	[dreg:$0x2] =	wrdreg s3  }
0xa9: {  	[dreg:$0x3] =	wrdreg s5  }
0xaa: {  	[dreg:$0x4] =	wrdreg $0xC0  }
0xab: {  	_ =	task [dreg:s7], $0x5FFFF  }
0xac: {  	[dreg:$0x1] =	wrdreg $0xFFFFFFFF  }
0xad: {  	[dreg:$0x0] =	wrdreg $0x60  }
0xae: {  	[dreg:$0x2] =	wrdreg s2  }
0xaf: {  	[dreg:$0x3] =	wrdreg s24  }
0xb0: {  	[dreg:$0x4] =	wrdreg $0x9  }
0xb1: {  	_ =	task.clear_ibuf [dreg:s7], $0x5FFFF;
	_ =	strace $0x90000046  }
0xb2: {  	s29 =	simm.s32 $0x9;
	_ =	strace $0x80000048  }
0xb3: {  	_ =	swait.ge [sflag:s29], $0x1  }
0xb4: {  	[sflag:s29] =	ssyncadd.s32 $0xFFFFFFFF  }
0xb5: {  	_ =	strace $0x90000048  }
0xb6: {  	_ =	sfence  }
0xb7: {  	s30 =	sld [smem:$0x0];
	_ =	sdelay $0x2  }
0xb8: {  	s31 =	sshll.u32 s1, $0xD;
	s1 =	sshrl.u32 s1, $0x2  }
0xb9: {  	s3 =	sand.u32 $0x4000, s31;
	s1 =	sadd.s32 s1, s30  }
0xba: {  	s0 =	sor.u32 s3, s0;
	s1 =	sshll.u32 s1, $0x11  }
0xbb: {  	s0 =	sor.u32 s1, s0  }
0xbc: {  	s0 =	sadd.s32 $0x8F2B, s0  }
0xbd: {  	[sflag:s0] =	ssyncadd.remote.s32 $0x1  }
0xbe: {  	_ =	sfence.sel $0xFFFF  }
0xbf: {  	[dreg:$0x0] =	wrdreg $0xFFFFFFFF;
	(pc) =	sbr.abs _section_cstart, $3  }
0xc0: {  	[dreg:$0x1] =	wrdreg $0xFFFFFFFF  }
0xc1: {  	_ =	task.clear_ibuf [dreg:s7], $0x2FFFF;
	_ =	strace $0x9FFFFFFF  }
0xc2: {  	(tm) =	ssettm $0x7FFFFFFF  }
0xc3: {  	_ =	shalt  }
tec
execute0_lowered:
.L_overlay_start_1:
0x0: {  	(tag) =	ssettag $0x1  }
0x1: {  	s0 =	srdreg.scid  }
0x2: {  	s8 =	stileid.u32;
	s1 =	rddreg [dreg:$0x0]  }
0x3: {  	s4 =	rddreg [dreg:$0x1];
	s3 =	simm.s32 $0x0;
	s28 =	simm.s32 $0x18400  }
0x4: {  	s30 =	simm.s32 $0x1;
	s29 =	simm.s32 $0x11;
	s31 =	simm.s32 $0x8  }
0x5: {  	s9 =	simm.s32 $0x14;
	s11 =	simm.s32 $0x0;
	s0 =	sand.u32 $0x1, s0  }
0x6: {  	s2 =	sshll.u32 s8, $0x1;
	[smem:$0x7FF] =	sst s3;
	s5 =	smul.u32 $0xC800, s8  }
0x7: {  	s3 =	sadd.s32 $0xF43000, s4;
	s4 =	sadd.s32 $0xA00, s4;
	s20 =	smul.u32 $0xC8000, s8  }
0x8: {  	s2 =	sor.u32 s0, s2;
	s6 =	ssub.s32 $0x2, s0;
	s7 =	smul.u32 $0x6400, s0  }
0x9: {  	s8 =	simm.s32 $0xA;
	s2 =	smul.u32 $0x6400, s2;
	s15 =	sshrl.u32 s6, $0x1  }
0xa: {  	_ =	strace $0x80000047;
	[dreg:$0x3] =	wrdreg s4;
	s4 =	ssub.s32 s6, s15  }
0xb: {  	s5 =	sadd.s32 s7, s5;
	s2 =	sshrl.u32 s2, $0x3;
	s16 =	smax.u32 s4, $0x1  }
0xc: {  	s17 =	sshll.u32 s5, $0x4;
	s1 =	sadd.s32 s1, s2;
	[dreg:$0x5] =	wrdreg s16  }
0xd: {  	s0 =	smul.u32 $0x64000, s0;
	s18 =	sadd.s32 $0x4800, s17;
	[dreg:$0x4] =	wrdreg s1  }
0xe: {  	s6 =	simm.s32 $0x4;
	s19 =	sadd.s32 $0x4000, s17;
	[dreg:$0x6] =	wrdreg s18  }
0xf: {  	s7 =	simm.s32 $0x13;
	s21 =	sor.u32 $0x3800, s17;
	[dreg:$0x7] =	wrdreg s19  }
0x10: {  	s4 =	simm.s32 $0x3;
	s22 =	sor.u32 $0x3000, s17;
	[dreg:$0x8] =	wrdreg s21  }
0x11: {  	s5 =	simm.s32 $0xD;
	s23 =	sor.u32 $0x2800, s17;
	[dreg:$0x9] =	wrdreg s22  }
0x12: {  	s24 =	sor.u32 $0x2000, s17;
	s25 =	sor.u32 $0x1800, s17;
	[dreg:$0xa] =	wrdreg s23  }
0x13: {  	s26 =	sor.u32 $0x1000, s17;
	s16 =	sadd.s32 s0, s20;
	[dreg:$0xb] =	wrdreg s24  }
0x14: {  	s2 =	simm.s32 $0xC;
	s20 =	simm.s32 $0xF;
	[dreg:$0xc] =	wrdreg s25  }
.Ltmp0:
0x15: {  	s0 =	simm.s32 $0x12;
	[dreg:$0xd] =	wrdreg s26;
	(pc) =	sbr.rel .LBB2_1-.Ltmp0, $4  }
0x16: {  	s1 =	sor.u32 $0x800, s17;
	s18 =	simm.s32 $0x80;
	s21 =	simm.s32 $0xB  }
0x17: {  	s25 =	simm.s32 $0x2;
	s17 =	simm.s32 $0xE;
	s19 =	simm.s32 $0x5  }
0x18: {  	s22 =	simm.s32 $0x6;
	s24 =	simm.s32 $0x10;
	s26 =	simm.s32 $0x7  }
0x19: {  	s23 =	simm.s32 $0x9;
	[dreg:$0xe] =	wrdreg s1;
	s1 =	simm.s32 $0x40  }
.LBB2_4:
0x1a: {  	s11 =	rddreg [dreg:$0xf]  }
0x1b: {  	s10 =	rddreg [dreg:$0x5];
	s11 =	sadd.s32 $0x1, s11  }
0x1c: {  	p0 =	sne.s32 s11, s10  }
.Ltmp1:
0x1d: {  	_ = 	snop;
	(pc) =	sbr.rel @!p0 .LBB2_5-.Ltmp1, $1  }
0x1e: {  	_ =	sdelay $0x3  }
.LBB2_1:
0x1f: {  	[dreg:$0xf] =	wrdreg s11  }
0x20: {  	s10 =	simm.s32 $0x0;
	s14 =	rddreg [dreg:$0x4];
	s15 =	simm.s32 $0x15  }
0x21: {  	[tilespmem:s10], [sflag:$0x15] =	stream.linear.gather [hbm4b:s14+s10], $0x6400, $0x38;
	[tilespmem:$0x1A400] =	vst v63  }
0x22: {  	_ =	swait.ge [sflag:s15], $0x6400  }
0x23: {  	[sflag:s15] =	ssyncset.done $0x0  }
0x24: {  	s12 =	simm.s32 $0x6400;
	[sflag:s15] =	ssyncadd.s32 $0xFFFF9C00  }
0x25: {  	[tilespmem:s12], [sflag:$0x1] =	stream.indirect.gather [hbm4b:s3+s18], $0x40, s10, s18, $0xb8;
	[tilespmem:$0x1A400] =	vst v63  }
0x26: {  	s13 =	simm.s32 $0x8400  }
0x27: {  	[tilespmem:s13], [sflag:$0x2] =	stream.indirect.gather [hbm4b:s3+s18], $0x40, s18, s18, $0xb8;
	[tilespmem:$0x1A400] =	vst v63  }
0x28: {  	s14 =	simm.s32 $0x100;
	s15 =	simm.s32 $0xA400  }
0x29: {  	[tilespmem:s15], [sflag:$0x3] =	stream.indirect.gather [hbm4b:s3+s18], $0x40, s14, s18, $0xb8;
	[tilespmem:$0x1A400] =	vst v63  }
0x2a: {  	s12 =	simm.s32 $0x180;
	s13 =	simm.s32 $0xC400  }
0x2b: {  	[tilespmem:s13], [sflag:$0x4] =	stream.indirect.gather [hbm4b:s3+s18], $0x40, s12, s18, $0xb8;
	[tilespmem:$0x1A400] =	vst v63  }
0x2c: {  	s14 =	simm.s32 $0x200;
	s15 =	simm.s32 $0xE400  }
0x2d: {  	[tilespmem:s15], [sflag:$0x5] =	stream.indirect.gather [hbm4b:s3+s18], $0x40, s14, s18, $0xb8;
	[tilespmem:$0x1A400] =	vst v63  }
0x2e: {  	s12 =	simm.s32 $0x280;
	s13 =	simm.s32 $0x10400  }
0x2f: {  	[tilespmem:s13], [sflag:$0x6] =	stream.indirect.gather [hbm4b:s3+s18], $0x40, s12, s18, $0xb8;
	[tilespmem:$0x1A400] =	vst v63  }
0x30: {  	s14 =	simm.s32 $0x300;
	s15 =	simm.s32 $0x12400  }
0x31: {  	[tilespmem:s15], [sflag:$0x7] =	stream.indirect.gather [hbm4b:s3+s18], $0x40, s14, s18, $0xb8;
	[tilespmem:$0x1A400] =	vst v63  }
0x32: {  	s11 =	simm.s32 $0x380;
	s12 =	simm.s32 $0x14400  }
0x33: {  	[tilespmem:s12], [sflag:$0x8] =	stream.indirect.gather [hbm4b:s3+s18], $0x40, s11, s18, $0xb8;
	[tilespmem:$0x1A400] =	vst v63  }
0x34: {  	s13 =	simm.s32 $0x400;
	s14 =	simm.s32 $0x16400  }
0x35: {  	[tilespmem:s14], [sflag:$0x9] =	stream.indirect.gather [hbm4b:s3+s18], $0x40, s13, s18, $0xb8;
	[tilespmem:$0x1A400] =	vst v63  }
0x36: {  	s10 =	rddreg [dreg:$0x3];
	s15 =	simm.s32 $0x480;
	s11 =	simm.s32 $0x0  }
0x37: {  	[tilespmem:s28], [sflag:$0xA] =	stream.indirect.gather [hbm4b:s3+s18], $0x40, s15, s18, $0xb8;
	[tilespmem:$0x1A400] =	vst v63  }
.LBB2_2:
0x38: {  	_ =	swait.ge [sflag:s30], $0x2000  }
0x39: {  	[sflag:s30] =	ssyncset.done $0x0  }
0x3a: {  	s12 =	sadd.s32 s10, s16;
	s13 =	simm.s32 $0x6400;
	[sflag:s30] =	ssyncadd.s32 $0xFFFFE000  }
0x3b: {  	[hbm4b:s12+s1] =	stream.strided.scatter [tilespmem:s13], [sflag:$0xB], $0x2000, s18, s1, $0x38;
	[tilespmem:$0x1A400] =	vst v63  }
0x3c: {  	p0 =	seq.s32 s11, $0x17C00;
	_ =	swait.ge [sflag:s21], $0x2000  }
0x3d: {  	s15 =	simm.s32 @!p0 $0x6400;
	s12 =	sshra.s32 @!p0 s11, $0x2;
	[sflag:s21] =	ssyncset.done $0x0  }
0x3e: {  	s13 =	simm.s32 @!p0 $0x80;
	s14 =	sadd.s32 @!p0 $0x500, s12;
	[sflag:s21] =	ssyncadd.s32 $0xFFFFE000  }
0x3f: {  	[tilespmem:s15], [sflag:$0x1] =	stream.indirect.gather @!p0 [hbm4b:s3+s13], $0x40, s14, s13, $0xb8;
	[tilespmem:$0x1A400] =	vst v63  }
0x40: {  	_ =	swait.ge [sflag:s25], $0x2000  }
0x41: {  	[sflag:s25] =	ssyncset.done $0x0;
	s15 =	rddreg [dreg:$0xe]  }
0x42: {  	[sflag:s25] =	ssyncadd.s32 $0xFFFFE000;
	s14 =	sadd.s32 s10, s15;
	s15 =	simm.s32 $0x8400  }
0x43: {  	[hbm4b:s14+s1] =	stream.strided.scatter [tilespmem:s15], [sflag:$0xC], $0x2000, s18, s1, $0x38;
	[tilespmem:$0x1A400] =	vst v63  }
0x44: {  	_ =	swait.ge [sflag:s2], $0x2000  }
0x45: {  	[sflag:s2] =	ssyncset.done $0x0  }
0x46: {  	s14 =	sadd.s32 @!p0 $0x580, s12;
	s15 =	simm.s32 @!p0 $0x8400;
	[sflag:s2] =	ssyncadd.s32 $0xFFFFE000  }
0x47: {  	[tilespmem:s15], [sflag:$0x2] =	stream.indirect.gather @!p0 [hbm4b:s3+s13], $0x40, s14, s13, $0xb8;
	[tilespmem:$0x1A400] =	vst v63  }
0x48: {  	_ =	swait.ge [sflag:s4], $0x2000  }
0x49: {  	[sflag:s4] =	ssyncset.done $0x0;
	s15 =	rddreg [dreg:$0xd]  }
0x4a: {  	[sflag:s4] =	ssyncadd.s32 $0xFFFFE000;
	s14 =	sadd.s32 s10, s15;
	s15 =	simm.s32 $0xA400  }
0x4b: {  	[hbm4b:s14+s1] =	stream.strided.scatter [tilespmem:s15], [sflag:$0xD], $0x2000, s18, s1, $0x38;
	[tilespmem:$0x1A400] =	vst v63  }
0x4c: {  	_ =	swait.ge [sflag:s5], $0x2000  }
0x4d: {  	[sflag:s5] =	ssyncset.done $0x0  }
0x4e: {  	s14 =	sadd.s32 @!p0 $0x600, s12;
	s15 =	simm.s32 @!p0 $0xA400;
	[sflag:s5] =	ssyncadd.s32 $0xFFFFE000  }
0x4f: {  	[tilespmem:s15], [sflag:$0x3] =	stream.indirect.gather @!p0 [hbm4b:s3+s13], $0x40, s14, s13, $0xb8;
	[tilespmem:$0x1A400] =	vst v63  }
0x50: {  	_ =	swait.ge [sflag:s6], $0x2000  }
0x51: {  	[sflag:s6] =	ssyncset.done $0x0;
	s15 =	rddreg [dreg:$0xc]  }
0x52: {  	[sflag:s6] =	ssyncadd.s32 $0xFFFFE000;
	s14 =	sadd.s32 s10, s15;
	s15 =	simm.s32 $0xC400  }
0x53: {  	[hbm4b:s14+s1] =	stream.strided.scatter [tilespmem:s15], [sflag:$0xE], $0x2000, s18, s1, $0x38;
	[tilespmem:$0x1A400] =	vst v63  }
0x54: {  	_ =	swait.ge [sflag:s17], $0x2000  }
0x55: {  	[sflag:s17] =	ssyncset.done $0x0  }
0x56: {  	s14 =	sadd.s32 @!p0 $0x680, s12;
	s15 =	simm.s32 @!p0 $0xC400;
	[sflag:s17] =	ssyncadd.s32 $0xFFFFE000  }
0x57: {  	[tilespmem:s15], [sflag:$0x4] =	stream.indirect.gather @!p0 [hbm4b:s3+s13], $0x40, s14, s13, $0xb8;
	[tilespmem:$0x1A400] =	vst v63  }
0x58: {  	_ =	swait.ge [sflag:s19], $0x2000  }
0x59: {  	[sflag:s19] =	ssyncset.done $0x0;
	s15 =	rddreg [dreg:$0xb]  }
0x5a: {  	[sflag:s19] =	ssyncadd.s32 $0xFFFFE000;
	s14 =	sadd.s32 s10, s15;
	s15 =	simm.s32 $0xE400  }
0x5b: {  	[hbm4b:s14+s1] =	stream.strided.scatter [tilespmem:s15], [sflag:$0xF], $0x2000, s18, s1, $0x38;
	[tilespmem:$0x1A400] =	vst v63  }
0x5c: {  	_ =	swait.ge [sflag:s20], $0x2000  }
0x5d: {  	[sflag:s20] =	ssyncset.done $0x0  }
0x5e: {  	s14 =	sadd.s32 @!p0 $0x700, s12;
	s15 =	simm.s32 @!p0 $0xE400;
	[sflag:s20] =	ssyncadd.s32 $0xFFFFE000  }
0x5f: {  	[tilespmem:s15], [sflag:$0x5] =	stream.indirect.gather @!p0 [hbm4b:s3+s13], $0x40, s14, s13, $0xb8;
	[tilespmem:$0x1A400] =	vst v63  }
0x60: {  	_ =	swait.ge [sflag:s22], $0x2000  }
0x61: {  	[sflag:s22] =	ssyncset.done $0x0;
	s15 =	rddreg [dreg:$0xa]  }
0x62: {  	[sflag:s22] =	ssyncadd.s32 $0xFFFFE000;
	s14 =	sadd.s32 s10, s15;
	s15 =	simm.s32 $0x10400  }
0x63: {  	[hbm4b:s14+s1] =	stream.strided.scatter [tilespmem:s15], [sflag:$0x10], $0x2000, s18, s1, $0x38;
	[tilespmem:$0x1A400] =	vst v63  }
0x64: {  	_ =	swait.ge [sflag:s24], $0x2000  }
0x65: {  	[sflag:s24] =	ssyncset.done $0x0  }
0x66: {  	s14 =	sadd.s32 @!p0 $0x780, s12;
	s15 =	simm.s32 @!p0 $0x10400;
	[sflag:s24] =	ssyncadd.s32 $0xFFFFE000  }
0x67: {  	[tilespmem:s15], [sflag:$0x6] =	stream.indirect.gather @!p0 [hbm4b:s3+s13], $0x40, s14, s13, $0xb8;
	[tilespmem:$0x1A400] =	vst v63  }
0x68: {  	_ =	swait.ge [sflag:s26], $0x2000  }
0x69: {  	[sflag:s26] =	ssyncset.done $0x0;
	s15 =	rddreg [dreg:$0x9]  }
0x6a: {  	[sflag:s26] =	ssyncadd.s32 $0xFFFFE000;
	s14 =	sadd.s32 s10, s15;
	s15 =	simm.s32 $0x12400  }
0x6b: {  	[hbm4b:s14+s1] =	stream.strided.scatter [tilespmem:s15], [sflag:$0x11], $0x2000, s18, s1, $0x38;
	[tilespmem:$0x1A400] =	vst v63  }
0x6c: {  	_ =	swait.ge [sflag:s29], $0x2000  }
0x6d: {  	[sflag:s29] =	ssyncset.done $0x0  }
0x6e: {  	s14 =	sadd.s32 @!p0 $0x800, s12;
	s15 =	simm.s32 @!p0 $0x12400;
	[sflag:s29] =	ssyncadd.s32 $0xFFFFE000  }
0x6f: {  	[tilespmem:s15], [sflag:$0x7] =	stream.indirect.gather @!p0 [hbm4b:s3+s13], $0x40, s14, s13, $0xb8;
	[tilespmem:$0x1A400] =	vst v63  }
0x70: {  	_ =	swait.ge [sflag:s31], $0x2000  }
0x71: {  	[sflag:s31] =	ssyncset.done $0x0;
	s15 =	rddreg [dreg:$0x8]  }
0x72: {  	[sflag:s31] =	ssyncadd.s32 $0xFFFFE000;
	s14 =	sadd.s32 s10, s15;
	s15 =	simm.s32 $0x14400  }
0x73: {  	[hbm4b:s14+s1] =	stream.strided.scatter [tilespmem:s15], [sflag:$0x12], $0x2000, s18, s1, $0x38;
	[tilespmem:$0x1A400] =	vst v63  }
0x74: {  	_ =	swait.ge [sflag:s0], $0x2000  }
0x75: {  	[sflag:s0] =	ssyncset.done $0x0  }
0x76: {  	s14 =	sadd.s32 @!p0 $0x880, s12;
	s15 =	simm.s32 @!p0 $0x14400;
	[sflag:s0] =	ssyncadd.s32 $0xFFFFE000  }
0x77: {  	[tilespmem:s15], [sflag:$0x8] =	stream.indirect.gather @!p0 [hbm4b:s3+s13], $0x40, s14, s13, $0xb8;
	[tilespmem:$0x1A400] =	vst v63  }
0x78: {  	_ =	swait.ge [sflag:s23], $0x2000  }
0x79: {  	[sflag:s23] =	ssyncset.done $0x0;
	s15 =	rddreg [dreg:$0x7]  }
0x7a: {  	[sflag:s23] =	ssyncadd.s32 $0xFFFFE000;
	s14 =	sadd.s32 s10, s15;
	s15 =	simm.s32 $0x16400  }
0x7b: {  	[hbm4b:s14+s1] =	stream.strided.scatter [tilespmem:s15], [sflag:$0x13], $0x2000, s18, s1, $0x38;
	[tilespmem:$0x1A400] =	vst v63  }
0x7c: {  	_ =	swait.ge [sflag:s7], $0x2000  }
0x7d: {  	[sflag:s7] =	ssyncset.done $0x0  }
0x7e: {  	s12 =	sadd.s32 @!p0 $0x900, s12;
	s14 =	simm.s32 @!p0 $0x16400;
	[sflag:s7] =	ssyncadd.s32 $0xFFFFE000  }
0x7f: {  	[tilespmem:s14], [sflag:$0x9] =	stream.indirect.gather @!p0 [hbm4b:s3+s13], $0x40, s12, s13, $0xb8;
	[tilespmem:$0x1A400] =	vst v63  }
0x80: {  	_ =	swait.ge [sflag:s8], $0x2000  }
0x81: {  	[sflag:s8] =	ssyncset.done $0x0;
	s15 =	rddreg [dreg:$0x6]  }
.Ltmp2:
0x82: {  	[sflag:s8] =	ssyncadd.s32 $0xFFFFE000;
	s12 =	sadd.s32 s10, s15;
	(pc) =	sbr.rel @p0 .LBB2_4-.Ltmp2, $4  }
0x83: {  	[hbm4b:s12+s1] =	stream.strided.scatter [tilespmem:s28], [sflag:$0x14], $0x2000, s18, s1, $0x38;
	[tilespmem:$0x1A400] =	vst v63  }
0x84: {  	_ =	swait.ge [sflag:s9], $0x2000  }
0x85: {  	[sflag:s9] =	ssyncset.done $0x0  }
0x86: {  	[sflag:s9] =	ssyncadd.s32 $0xFFFFE000  }
.Ltmp3:
0x87: {  	(pc) =	sbr.rel .LBB2_2-.Ltmp3, $4  }
0x88: {  	_ = 	snop  }
0x89: {  	s12 =	sshra.s32 s11, $0x2  }
0x8a: {  	s11 =	sadd.s32 $0x1400, s11;
	s10 =	sadd.s32 $0x5000, s10;
	s12 =	sadd.s32 $0x980, s12  }
0x8b: {  	[tilespmem:s28], [sflag:$0xA] =	stream.indirect.gather [hbm4b:s3+s18], $0x40, s12, s18, $0xb8;
	[tilespmem:$0x1A400] =	vst v63  }
.LBB2_5:
0x8c: {  	_ =	sfence.sel $0x180000  }
0x8d: {  	[bflag:$0x0] =	sbarrier.arrive $0xFFFF  }
0x8e: {  	_ =	strace $0x90000047  }
0x8f: {  	s0 =	stileid.u32;
	[bflag:$0x2] =	sbarrier.arrive $0xFFFF  }
0x90: {  	p0 =	sne.s32 s0, $0x0;
	s0 =	rddreg [dreg:$0x2]  }
0x91: {  	s0 =	sadd.s32 @!p0 $0x100000, s0  }
0x92: {  	[sflag:s0] =	ssyncadd.tile.s32 @!p0 $0x1;
	_ =	shalt  }
.Lfunc_end2:
_tile_overlayer_lowered:
.L_overlay_start_2:
0x93: {  	(tag) =	ssettag $0x2  }
0x94: {  	s0 =	rddreg [dreg:$0x0];
	s2 =	stileid.u32  }
0x95: {  	s1 =	rddreg [dreg:$0x1];
	p0 =	sne.s32 s2, $0x0  }
0x96: {  	s3 =	rddreg [dreg:$0x2];
	[bflag:$0x3] =	sbarrier.arrive $0xFFFF;
	s2 =	simm.s32 @!p0 $0x1C15  }
0x97: {  	[timem:s3], [sflag:s2] =	dma.local @!p0 [hbm:s0], s1  }
0x98: {  	s0 =	simm.s32 @!p0 $0x15  }
0x99: {  	_ =	swait.ge @!p0 [sflag:s0], s1  }
0x9a: {  	s1 =	ssub.s32 @!p0 $0x0, s1;
	[sflag:s0] =	ssyncset.done @!p0 $0x0  }
0x9b: {  	[sflag:s0] =	ssyncadd.s32 @!p0 s1  }
0x9c: {  	[bflag:$0x3] =	sbarrier.arrive $0xFFFF  }
0x9d: {  	_ =	shalt  }

// kernel: sparse-core-data-format-call.cloned.1.call-start
scs
called_computation_lowered:
.L_overlay_start_0:
0x0: {  	s2 =	sld [smem:$0x3FD9]  }
0x1: {  	s3 =	sld [smem:$0x3FFE];
	_ =	sdelay $0x1  }
0x2: {  	s1 =	srdreg.scid  }
0x3: {  	s0 =	sand.u32 $0x1, s1  }
0x4: {  	s18 =	sshll.u32 s0, $0xA;
	s2 =	sadd.s32 s3, s2  }
0x5: {  	s2 =	sadd.s32 s2, s18  }
0x6: {  	[smem:$0x3FC6] =	sst s2  }
0x7: {  	_ = 	snop  }
0x8: {  	s2 =	sld [smem:$0x3FD0];
	(tm) =	ssettm $0x1  }
0x9: {  	s19 =	sld [smem:$0x3FFB];
	_ =	sdelay $0x3  }
0xa: {  	_ =	strace s19  }
0xb: {  	s3 =	sld [smem:$0x3FFC];
	_ =	sdelay $0x3  }
0xc: {  	_ =	strace s3  }
0xd: {  	s3 =	sld [smem:$0x3FFD];
	_ =	sdelay $0x3  }
0xe: {  	_ =	strace s3  }
0xf: {  	_ =	strace $0x8FFFFFFF  }
0x10: {  	s20 =	sld [smem:$0x3FDB];
	_ =	sdelay $0x1  }
0x11: {  	s4 =	simm.s32 $_scs_section_size  }
0x12: {  	s5 =	simm.s32 $_size__tile_overlayer_lowered;
	s6 =	simm.s32 $_tile_overlayer_lowered  }
0x13: {  	s23 =	simm.s32 $0x1BFF;
	s22 =	sshll.u32 s6, $0x1;
	s3 =	sadd.s32 s4, s20  }
0x14: {  	s7 =	simm.s32 $0x0;
	s21 =	sshll.u32 s5, $0x1;
	s5 =	sadd.s32 s22, s3  }
0x15: {  	[timem:s7], [sflag:s23] =	dma.local [hbm:s5], s21  }
0x16: {  	_ =	swait.ge [sflag:s23], s21  }
0x17: {  	s4 =	ssub.s32 $0x0, s21;
	[sflag:s23] =	ssyncset.done $0x0  }
0x18: {  	[sflag:s23] =	ssyncadd.s32 s4;
	_ =	sdelay $0x1  }
0x19: {  	s24 =	simm.s32 $0x1B8B  }
0x1a: {  	_ =	swait.ge [sflag:s24], $0x1  }
0x1b: {  	[sflag:s24] =	ssyncset.done $0x0  }
0x1c: {  	s26 =	simm.s32 $0x1B8E;
	s25 =	sld [smem:$0x3FFE];
	[sflag:s24] =	ssyncadd.s32 $0xFFFFFFFF  }
0x1d: {  	s27 =	simm.s32 $execute0_lowered;
	[smem:$0x3FD2] =	sst s26  }
0x1e: {  	s5 =	sshll.u32 s27, $0x1;
	_ =	strace $0x80000049;
	[dreg:$0x1] =	wrdreg $0xFFFFFFFF  }
0x1f: {  	s28 =	simm.s32 $_size_execute0_lowered;
	s3 =	sadd.s32 s3, s5;
	[dreg:$0x0] =	wrdreg $0x0  }
0x20: {  	s5 =	sshll.u32 s28, $0x1;
	[dreg:$0x2] =	wrdreg s3  }
0x21: {  	[dreg:$0x3] =	wrdreg s5  }
0x22: {  	[dreg:$0x4] =	wrdreg $0xC0  }
0x23: {  	_ =	task [dreg:s7], $0x5FFFF  }
0x24: {  	[dreg:$0x1] =	wrdreg $0xFFFFFFFF  }
0x25: {  	[dreg:$0x0] =	wrdreg $0x60  }
0x26: {  	[dreg:$0x2] =	wrdreg s25  }
0x27: {  	[dreg:$0x3] =	wrdreg s2  }
0x28: {  	[dreg:$0x4] =	wrdreg $0x9  }
0x29: {  	_ =	task.clear_ibuf [dreg:s7], $0x5FFFF;
	_ =	strace $0x90000049  }
0x2a: {  	s29 =	simm.s32 $0x9;
	_ =	strace $0x8000004B  }
0x2b: {  	_ =	swait.ge [sflag:s29], $0x1  }
0x2c: {  	[sflag:s29] =	ssyncadd.s32 $0xFFFFFFFF  }
0x2d: {  	_ =	strace $0x9000004B  }
0x2e: {  	_ =	sfence  }
0x2f: {  	s30 =	sld [smem:$0x0];
	_ =	sdelay $0x2  }
0x30: {  	s31 =	sshll.u32 s1, $0xD;
	s1 =	sshrl.u32 s1, $0x2  }
0x31: {  	s3 =	sand.u32 $0x4000, s31;
	s1 =	sadd.s32 s1, s30  }
0x32: {  	s0 =	sor.u32 s3, s0;
	s1 =	sshll.u32 s1, $0x11  }
0x33: {  	s0 =	sor.u32 s1, s0  }
0x34: {  	s0 =	sadd.s32 $0x8F2B, s0  }
0x35: {  	[sflag:s0] =	ssyncadd.remote.s32 $0x1  }
0x36: {  	_ =	sfence.sel $0xFFFF  }
0x37: {  	[dreg:$0x0] =	wrdreg $0xFFFFFFFF;
	(pc) =	sbr.abs _section_cstart, $3  }
0x38: {  	[dreg:$0x1] =	wrdreg $0xFFFFFFFF  }
0x39: {  	_ =	task.clear_ibuf [dreg:s7], $0x2FFFF;
	_ =	strace $0x9FFFFFFF  }
0x3a: {  	(tm) =	ssettm $0x7FFFFFFF  }
0x3b: {  	_ =	shalt  }
tec
execute0_lowered:
.L_overlay_start_1:
0x0: {  	(tag) =	ssettag $0x1  }
0x1: {  	s0 =	srdreg.scid  }
0x2: {  	s1 =	sshll.u32 s0, $0x4  }
0x3: {  	s0 =	stileid.u32;
	s1 =	sand.u32 $0x10, s1  }
0x4: {  	s1 =	sor.u32 s0, s1  }
0x5: {  	s6 =	rddreg [dreg:$0x0];
	s4 =	simm.s32 $0x1;
	s2 =	sshll.u32 s1, $0x7  }
0x6: {  	s7 =	simm.s32 $0x2;
	s12 =	simm.s32 $0x0;
	s1 =	ssub.s32 $0x1000, s2  }
0x7: {  	s8 =	simm.s32 $0x8000;
	s13 =	simm.s32 $0x0;
	s3 =	sand.u32 $0xF80, s1  }
0x8: {  	s9 =	simm.s32 $0x0;
	s5 =	sshrl.u32 s1, $0xC;
	p0 =	sne.s32 s3, $0x0  }
.Ltmp0:
0x9: {  	s1 =	rddreg [dreg:$0x2];
	s4 =	simm.s32 @!p0 $0x0;
	(pc) =	sbr.rel .LBB1_1-.Ltmp0, $4  }
0xa: {  	s11 =	simm.s32 $0x0;
	s3 =	rddreg [dreg:$0x1];
	s5 =	sadd.s32 s4, s5  }
0xb: {  	_ =	strace $0x8000004A;
	s4 =	simm.s32 $0x1;
	s5 =	smul.u32 $0xC8, s5  }
0xc: {  	s6 =	sadd.s32 $0xA00, s6;
	s10 =	smov.u32 s2;
	[sflag:s4] =	ssyncpa.u1 $0x0  }
0xd: {  	p0 =	por $0x0, $0x0;
	[sflag:s7] =	ssyncpa.u1 $0x0;
	s7 =	sor.u32 $0x1, s5  }
.LBB1_4:
0xe: {  	s16 =	sshll.u32 s13, $0x3;
	s17 =	sand.u32 $0x78, s13  }
0xf: {  	s30 =	sand.u32 $0x7E00, s13;
	s12 =	sshll.u32 s12, $0xF;
	s16 =	sand.u32 $0xC00, s16  }
0x10: {  	[tilespmem:s15+$0x810 ss:$0x81] =	vst.msk $0xffff, v2;
	s31 =	sand.u32 $0x7, s13;
	s16 =	sor.u32 s17, s16;
	s17 =	sadd.s32 s3, s30  }
0x11: {  	[tilespmem:s15+$0x1020 ss:$0x81] =	vst.msk $0xffff, v0;
	s13 =	sshll.u32 s31, $0x12;
	s12 =	sadd.s32 s12, s17;
	s16 =	sshrl.u32 s16, $0x3  }
0x12: {  	[tilespmem:s15+$0x0 ss:$0x81] =	vst.msk $0xffff, v1;
	s13 =	sor.u32 $0x400, s13;
	s12 =	sadd.s32 s16, s12  }
0x13: {  	[hbm4b:s12+s13] =	stream.strided.scatter [tilespmem:s14], [sflag:$0x2], $0x2000, s8, s13, $0x20;
	[tilespmem:$0x8080] =	vst v63  }
.LBB1_5:
0x14: {  	s14 =	sadd.s32 $0x1, s9  }
0x15: {  	s12 =	sadd.s32 $0x1000, s10;
	s16 =	smov.u32 s10;
	p2 =	sgt.s32 s14, $0xC7  }
0x16: {  	s16 =	smov.u32 @p2 s12  }
0x17: {  	s14 =	simm.s32 @p2 $0x0;
	p2 =	sgt.s32 s16, $0xFFF  }
0x18: {  	s16 =	smov.u32 @p2 s2;
	p2 =	sne.s32 s11, s7  }
.Ltmp1:
0x19: {  	p1 =	slt.u32 s11, $0x2;
	(pc) =	sbr.rel @!p2 .LBB1_6-.Ltmp1, $4  }
0x1a: {  	s15 =	simm.s32 @!p1 $0x2  }
0x1b: {  	s13 =	smov.u32 s10;
	p0 =	por !p0, !p0;
	_ =	swait.ge @!p1 [sflag:s15], $0x2000  }
0x1c: {  	s12 =	smov.u32 s9;
	[sflag:s15] =	ssyncset.done @!p1 $0x0;
	s9 =	smov.u32 s14  }
0x1d: {  	s11 =	sadd.s32 $0x1, s11;
	[sflag:s15] =	ssyncadd.s32 @!p1 $0xFFFFE000;
	s10 =	smov.u32 s16  }
.LBB1_1:
0x1e: {  	p1 =	sge.u32 s11, s5  }
0x1f: {  	s14 =	sand.u32 @!p1 $0x1FFFFFF, s9  }
0x20: {  	s15 =	smulhi.u32 @!p1 $0x147AE15, s14;
	_ =	sdelay $0x1  }
0x21: {  	s15 =	smul.u32 @!p1 $0xC8, s15  }
0x22: {  	s16 =	sxor.u32 @!p1 $0xFFFFFFFF, s11;
	s17 =	smul.u32 @!p1 $0xC80, s10  }
0x23: {  	s31 =	sadd.s32 $0xFFFFFFFF, s11;
	s16 =	sshll.u32 @!p1 s16, $0xD;
	s14 =	ssub.s32 @!p1 s14, s15  }
0x24: {  	s15 =	sand.u32 @!p1 $0x2000, s16;
	s16 =	sadd.s32 @!p1 s6, s17;
	s14 =	sshll.u32 @!p1 s14, $0x4  }
0x25: {  	s17 =	simm.s32 @!p1 $0x6400;
	s14 =	sadd.s32 @!p1 s14, s16;
	s16 =	simm.s32 @!p1 $0x40  }
0x26: {  	[tilespmem:s15], [sflag:$0x1] =	stream.strided.gather @!p1 [hbm4b:s14+s16], $0x2000, s17, s16, $0x38;
	[tilespmem:$0x8080] =	vst v63  }
0x27: {  	p1 =	sge.u32 s31, s5  }
.Ltmp2:
0x28: {  	_ = 	snop;
	(pc) =	sbr.rel @p1 .LBB1_5-.Ltmp2, $1  }
0x29: {  	_ =	sdelay $0x3  }
0x2a: {  	s14 =	simm.s32 $0x1  }
0x2b: {  	_ =	swait.ge [sflag:s4], $0x2000;
	s14 =	simm.s32 @!p0 $0x0  }
0x2c: {  	[sflag:s4] =	ssyncset.done $0x0;
	s15 =	sshll.u32 s14, $0xD  }
0x2d: {  	[sflag:s4] =	ssyncadd.s32 $0xFFFFE000;
	s18 =	sor.u32 $0x20, s15  }
0x2e: {  	s14 =	smul.u32 $0x8100, s14;
	v3 =	vld [tilespmem:s18+$0x10]  }
0x2f: {  	s30 =	sand.u32 $0x1, s11;
	v2 =	vld [tilespmem:s18+$0xFFFFFFF0]  }
0x30: {  	s15 =	smul.u32 $0x8100, s30;
	s14 =	sshrl.u32 s14, $0x2;
	v0 =	vld [tilespmem:s18+$0x0]  }
0x31: {  	v1 =	vld [tilespmem:s18+$0xFFFFFFE0];
	s16 =	sor.u32 $0x4000, s14  }
0x32: {  	s31 =	sshrl.u32 s15, $0x2;
	s15 =	sadd.s32 $0x0, s16  }
0x33: {  	s17 =	simm.s32 $0x4;
	s18 =	sadd.s32 $0x40, s18;
	s14 =	sor.u32 $0x4000, s31;
	[tilespmem:s15+$0x1830 ss:$0x81] =	vst.msk $0xffff, v3  }
.LBB1_3:
0x34: {  	v3 =	vld [tilespmem:s18+$0x10];
	p1 =	sne.s32 s17, $0x1FC;
	[tilespmem:s15+$0x810 ss:$0x81] =	vst.msk $0xffff, v2;
	s19 =	smov.u32 s17;
	s17 =	sadd.s32 $0x4, s17  }
.Ltmp3:
0x35: {  	v2 =	vld [tilespmem:s18+$0xFFFFFFF0];
	[tilespmem:s15+$0x1020 ss:$0x81] =	vst.msk $0xffff, v0;
	(pc) =	sbr.rel @p1 .LBB1_3-.Ltmp3, $4  }
0x36: {  	v0 =	vld [tilespmem:s18+$0x0];
	[tilespmem:s15+$0x0 ss:$0x81] =	vst.msk $0xffff, v1  }
0x37: {  	s15 =	sshra.s32 s19, $0x2;
	v1 =	vld [tilespmem:s18+$0xFFFFFFE0]  }
0x38: {  	s15 =	sadd.s32 s15, s16  }
0x39: {  	s18 =	sadd.s32 $0x40, s18;
	[tilespmem:s15+$0x1830 ss:$0x81] =	vst.msk $0xffff, v3  }
.Ltmp4:
0x3a: {  	_ = 	snop;
	(pc) =	sbr.rel .LBB1_4-.Ltmp4, $1  }
0x3b: {  	_ =	sdelay $0x3  }
.LBB1_6:
0x3c: {  	_ =	sfence.sel $0x180000  }
0x3d: {  	s2 =	simm.s32 $0x1;
	[bflag:$0x0] =	sbarrier.arrive $0xFFFF  }
0x3e: {  	s31 =	simm.s32 $0x2;
	[sflag:s2] =	ssyncpa.u1 $0x1  }
0x3f: {  	[sflag:s31] =	ssyncpa.u1 $0x1  }
0x40: {  	p0 =	sne.s32 s0, $0x0;
	_ =	strace $0x9000004A  }
0x41: {  	s0 =	sadd.s32 @!p0 $0x100000, s1;
	[bflag:$0x2] =	sbarrier.arrive $0xFFFF  }
0x42: {  	[sflag:s0] =	ssyncadd.tile.s32 @!p0 $0x1;
	_ =	shalt  }
.Lfunc_end1:
_tile_overlayer_lowered:
.L_overlay_start_2:
0x43: {  	(tag) =	ssettag $0x2  }
0x44: {  	s0 =	rddreg [dreg:$0x0];
	s2 =	stileid.u32  }
0x45: {  	s1 =	rddreg [dreg:$0x1];
	p0 =	sne.s32 s2, $0x0  }
0x46: {  	s3 =	rddreg [dreg:$0x2];
	[bflag:$0x3] =	sbarrier.arrive $0xFFFF;
	s2 =	simm.s32 @!p0 $0x1C01  }
0x47: {  	[timem:s3], [sflag:s2] =	dma.local @!p0 [hbm:s0], s1  }
0x48: {  	s0 =	simm.s32 @!p0 $0x1  }
0x49: {  	_ =	swait.ge @!p0 [sflag:s0], s1  }
0x4a: {  	s1 =	ssub.s32 @!p0 $0x0, s1;
	[sflag:s0] =	ssyncset.done @!p0 $0x0  }
0x4b: {  	[sflag:s0] =	ssyncadd.s32 @!p0 s1  }
0x4c: {  	[bflag:$0x3] =	sbarrier.arrive $0xFFFF  }
0x4d: {  	_ =	shalt  }

</sc_bundles>
